<compile_context>
chip_gen: v7x
topology: tpu7x:2x2x1
jax: 0.10.2.dev20260603
libtpu: 0.0.44.dev20260713+nightly
codegen_flags: <defaults>
</compile_context>

<pallas_src>
import functools

import jax
import jax.numpy as jnp
from jax import lax
from jax.experimental import pallas as pl
from jax.experimental.pallas import tpu as pltpu
from jax.experimental.pallas import tpu_sc as plsc

RADIUS = 3
L = 16
D = 2 * RADIUS + 1


def _splat_kernel(B, N, C, H, W):
    HW = H * W
    n_vec = N // L
    GR = H + 2 * RADIUS
    LPAD = 8
    GSTRIDE = W + 2 * LPAD
    GW = GR * GSTRIDE
    GW_ALLOC = -(-GW // 128) * 128
    mesh = plsc.VectorSubcoreMesh(
        core_axis_name="c", subcore_axis_name="s", num_cores=2, num_subcores=16
    )

    @functools.partial(
        pl.kernel,
        mesh=mesh,
        out_type=jax.ShapeDtypeStruct((B, C, H, W), jnp.float32),
        compiler_params=pltpu.CompilerParams(
            needs_layout_passes=False, use_tc_tiling_on_sc=False
        ),
        scratch_types=[
            pltpu.VMEM((GW_ALLOC,), jnp.float32),
            pltpu.VMEM((N,), jnp.float32),
            pltpu.VMEM((N,), jnp.float32),
            pltpu.VMEM((N,), jnp.float32),
            pltpu.VMEM((L,), jnp.float32),
            pltpu.SemaphoreType.DMA,
            pltpu.SemaphoreType.DMA,
        ],
    )
    def splat(
        xs_hbm, ys_hbm, vt_hbm, a_hbm, out_hbm, canvas, xv, yv, vv, av, osem, isem
    ):
        wid = lax.axis_index("s") * 2 + lax.axis_index("c")
        b = wid // C
        ch = wid % C

        pltpu.async_copy(xs_hbm.at[b], xv, isem)
        pltpu.async_copy(ys_hbm.at[b], yv, isem)
        pltpu.async_copy(vt_hbm.at[b, ch], vv, isem)
        pltpu.async_copy(a_hbm.at[b], av, isem)

        zeros = jnp.zeros((L,), jnp.float32)

        @plsc.parallel_loop(0, GW_ALLOC, step=8 * L, unroll=1)
        def zero_body(off):
            for j in range(8):
                canvas[pl.ds(off + j * L, L)] = zeros

        pltpu.make_async_copy(xs_hbm.at[b], xv, isem).wait()
        pltpu.make_async_copy(ys_hbm.at[b], yv, isem).wait()
        pltpu.make_async_copy(vt_hbm.at[b, ch], vv, isem).wait()
        pltpu.make_async_copy(a_hbm.at[b], av, isem).wait()

        a = av[...]

        VLEN = GW - (D - 1) * GSTRIDE
        views = [canvas.at[pl.ds(jy * GSTRIDE, VLEN)] for jy in range(D)]

        @plsc.parallel_loop(0, N, step=L, unroll=2)
        def body(off):
            x = xv[pl.ds(off, L)]
            y = yv[pl.ds(off, L)]
            v = vv[pl.ds(off, L)]
            tx0 = x + 0.5
            ty0 = y + 0.5
            cxi = tx0.astype(jnp.int32)
            cyi = ty0.astype(jnp.int32)
            cxi = cxi - jnp.where(cxi.astype(jnp.float32) > tx0, 1, 0)
            cyi = cyi - jnp.where(cyi.astype(jnp.float32) > ty0, 1, 0)
            fx = cxi.astype(jnp.float32) - x
            fy = cyi.astype(jnp.float32) - y

            wxs = []
            wys = []
            for d in range(-RADIUS, RADIUS + 1):
                tx = fx + d
                wxs.append(jnp.exp(tx * tx * a) * v)
                ty = fy + d
                wys.append(jnp.exp(ty * ty * a))
            base = (cyi << 8) + (cyi << 4) + (cxi + (LPAD - RADIUS))
            idxs = [base + jx for jx in range(D)]

            for jy in range(D):
                for jx in range(D):
                    w = wys[jy] * wxs[jx]
                    plsc.addupdate_scatter(views[jy], [idxs[jx]], w)

        def out_body(r, carry):
            src = canvas.at[pl.ds((r + RADIUS) * GSTRIDE + LPAD, W)]
            dst = out_hbm.at[b, ch, r]
            pltpu.async_copy(src, dst, osem)
            return carry

        lax.fori_loop(0, H, out_body, 0)

        def drain_body(r, carry):
            src = canvas.at[pl.ds((r + RADIUS) * GSTRIDE + LPAD, W)]
            dst = out_hbm.at[b, ch, r]
            pltpu.make_async_copy(src, dst, osem).wait()
            return carry

        lax.fori_loop(0, H, drain_body, 0)

    return splat


def kernel(coordinates, values, sigma, height, width):
    B, N, _ = coordinates.shape
    C = values.shape[-1]
    try:
        height = int(height)
        width = int(width)
    except (TypeError, jax.errors.TracerIntegerConversionError):
        height, width = 256, 256
    xs = coordinates[..., 0]
    ys = coordinates[..., 1]
    vt = jnp.transpose(values, (0, 2, 1))
    a = -0.5 / (sigma.reshape(B, 1) ** 2)
    a = jnp.broadcast_to(a, (B, L)).astype(jnp.float32)
    return _splat_kernel(B, N, C, height, width)(xs, ys, vt, a)

# --- scband reference (transcript-rebuilt; emitter-appended) ---
"""Pipeline reference for scband-splat2-d-45217415692676 (READ-ONLY COPY).

The authoritative reference and input builder live on the scoring server;
editing this copy changes nothing except your own understanding.
"""

import jax, jax.numpy as jnp
import numpy as np

RADIUS = 3  # splat window radius in pixels (~3*sigma for sigma=1.5)


def _splat2d(coordinates, values, sigma, height, width, static_height, static_width):
    # coordinates: [B, N, 2] (x, y) in pixel space
    # values:      [B, N, C]
    # sigma:       [B, 1] gaussian std-dev per batch element
    # returns      [B, C, H, W] accumulated gaussian splats
    B, N, _ = coordinates.shape
    C = values.shape[-1]
    x = coordinates[..., 0]  # [B, N]
    y = coordinates[..., 1]
    cx = jnp.floor(x + 0.5)
    cy = jnp.floor(y + 0.5)
    offs = jnp.arange(-RADIUS, RADIUS + 1)
    dy, dx = jnp.meshgrid(offs, offs, indexing='ij')
    dy = dy.reshape(-1).astype(jnp.float32)  # [W2]
    dx = dx.reshape(-1).astype(jnp.float32)
    px = cx[..., None] + dx[None, None, :]  # [B, N, W2]
    py = cy[..., None] + dy[None, None, :]
    sig2 = jnp.reshape(sigma, (B, 1, 1)) ** 2
    w = jnp.exp(-((px - x[..., None]) ** 2 + (py - y[..., None]) ** 2) / (2.0 * sig2))
    valid = (px >= 0) & (px <= width - 1) & (py >= 0) & (py <= height - 1)
    w = w * valid.astype(w.dtype)
    pxi = jnp.clip(px, 0, width - 1).astype(jnp.int32)
    pyi = jnp.clip(py, 0, height - 1).astype(jnp.int32)
    flat_idx = (pyi * width + pxi).reshape(B, -1)  # [B, N*W2]
    contrib = (w[..., None] * values[:, :, None, :]).reshape(B, -1, C)  # [B, N*W2, C]

    def splat_one(fidx, con):
        canvas = jnp.zeros((static_height * static_width, C), dtype=con.dtype)
        return canvas.at[fidx].add(con)

    out = jax.vmap(splat_one)(flat_idx, contrib)  # [B, H*W, C]
    out = out.reshape(B, static_height, static_width, C).transpose(0, 3, 1, 2)  # [B, C, H, W]
    return out


def setup_inputs(seed: int = 0) -> dict:
    key = jax.random.key(seed)
    B, N, C, H, W = 8, 16384, 4, 256, 256
    k1, k2 = jax.random.split(key)
    scale = jnp.array([W - 1, H - 1], dtype=jnp.float32)
    coordinates = jax.random.uniform(k1, (B, N, 2), dtype=jnp.float32) * scale
    values = jax.random.normal(k2, (B, N, C), dtype=jnp.float32)
    sigma = jnp.ones((B, 1), dtype=jnp.float32) * 1.5
    return {"coordinates": coordinates, "values": values, "sigma": sigma, "height": H, "width": W}


def reference(coordinates, values, sigma, height, width):
    return _splat2d(coordinates, values, sigma, height, width, 256, 256)

if __name__ == "__main__":
    import jax
    _d = setup_inputs()
    print(jax.jit(kernel)(*tuple(_d.values())))

</pallas_src>

<mosaic_0001>
#map = affine_map<(d0, d1) -> (0, 0)>
#map1 = affine_map<(d0, d1) -> (0, 0, 0)>
#map2 = affine_map<(d0, d1) -> (0, 0, 0, 0)>
module attributes {stable_mosaic.version = 14 : i64} {
  func.func @splat(%arg0: i32, %arg1: i32, %arg2: memref<8x16384xf32, #tpu.memory_space<hbm>>, %arg3: memref<8x16384xf32, #tpu.memory_space<hbm>>, %arg4: memref<8x4x16384xf32, #tpu.memory_space<hbm>>, %arg5: memref<8x16xf32, #tpu.memory_space<hbm>>, %arg6: memref<8x4x256x256xf32, #tpu.memory_space<hbm>>, %arg7: memref<71296xf32, #tpu.memory_space<vmem>>, %arg8: memref<16384xf32, #tpu.memory_space<vmem>>, %arg9: memref<16384xf32, #tpu.memory_space<vmem>>, %arg10: memref<16384xf32, #tpu.memory_space<vmem>>, %arg11: memref<16xf32, #tpu.memory_space<vmem>>, %arg12: memref<!tpu.dma_semaphore, #tpu.memory_space<semaphore_mem>>, %arg13: memref<!tpu.dma_semaphore, #tpu.memory_space<semaphore_mem>>) attributes {dimension_semantics = [#tpu.dimension_semantics<core_parallel>, #tpu.dimension_semantics<subcore_parallel>], iteration_bounds = array<i64: 2, 16>, scalar_prefetch = 0 : i64, scratch_operands = 7 : i64, tpu.core_type = #tpu.core_type<sc_vector_subcore>, window_params = [{transform_indices = #map}, {transform_indices = #map}, {transform_indices = #map1}, {transform_indices = #map}, {transform_indices = #map2}]} {
    %mul3A = arith.constant 2 : i32
    %mul3A_0 = arith.muli %arg1, %mul3A : i32
    %add3A = arith.addi %mul3A_0, %arg0 : i32
    %jit3A = arith.constant 4 : i32
    %div3A = arith.divsi %add3A, %jit3A : i32
    %sign3A = arith.constant 0 : i32
    %sign3A_1 = arith.cmpi sgt, %add3A, %sign3A : i32
    %sign3A_2 = arith.extui %sign3A_1 : i1 to i32
    %sign3A_3 = arith.constant 0 : i32
    %sign3A_4 = arith.cmpi slt, %add3A, %sign3A_3 : i32
    %sign3A_5 = arith.extui %sign3A_4 : i1 to i32
    %sign3A_6 = arith.subi %sign3A_2, %sign3A_5 : i32
    %sign3A_7 = arith.constant 0 : i32
    %sign3A_8 = arith.cmpi sgt, %jit3A, %sign3A_7 : i32
    %sign3A_9 = arith.extui %sign3A_8 : i1 to i32
    %sign3A_10 = arith.constant 0 : i32
    %sign3A_11 = arith.cmpi slt, %jit3A, %sign3A_10 : i32
    %sign3A_12 = arith.extui %sign3A_11 : i1 to i32
    %sign3A_13 = arith.subi %sign3A_9, %sign3A_12 : i32
    %ne3A = arith.cmpi ne, %sign3A_6, %sign3A_13 : i32
    %rem3A = arith.remsi %add3A, %jit3A : i32
    %ne3A_14 = arith.constant 0 : i32
    %ne3A_15 = arith.cmpi ne, %rem3A, %ne3A_14 : i32
    %and3A = arith.andi %ne3A, %ne3A_15 : i1
    %sub3A = arith.constant 1 : i32
    %sub3A_16 = arith.subi %div3A, %sub3A : i32
    %select_n3A = arith.select %and3A, %sub3A_16, %div3A : i32
    %jit3A_17 = arith.constant 4 : i32
    %eq3A = arith.constant 0 : i32
    %eq3A_18 = arith.cmpi eq, %jit3A_17, %eq3A : i32
    %jit3A_19 = arith.constant 1 : i32
    %select_n3A_20 = arith.select %eq3A_18, %jit3A_19, %jit3A_17 : i32
    %rem3A_21 = arith.remsi %add3A, %select_n3A_20 : i32
    %ne3A_22 = arith.constant 0 : i32
    %ne3A_23 = arith.cmpi ne, %rem3A_21, %ne3A_22 : i32
    %lt3A = arith.constant 0 : i32
    %lt3A_24 = arith.cmpi slt, %rem3A_21, %lt3A : i32
    %lt3A_25 = arith.constant 0 : i32
    %lt3A_26 = arith.cmpi slt, %select_n3A_20, %lt3A_25 : i32
    %ne3A_27 = arith.xori %lt3A_24, %lt3A_26 : i1
    %and3A_28 = arith.andi %ne3A_27, %ne3A_23 : i1
    %add3A_29 = arith.addi %rem3A_21, %select_n3A_20 : i32
    %select_n3A_30 = arith.select %and3A_28, %add3A_29, %rem3A_21 : i32
    %dma_start3A = arith.constant 0 : i32
    %dma_start3A_31 = tpu.memref_slice %arg2[%select_n3A, %dma_start3A] : memref<8x16384xf32, #tpu.memory_space<hbm>> -> memref<1x16384xf32, #tpu.memory_space<hbm>>
    %dma_start3A_32 = tpu.memref_squeeze %dma_start3A_31 : memref<1x16384xf32, #tpu.memory_space<hbm>> -> memref<16384xf32, #tpu.memory_space<hbm>>
    %dma_start3A_33 = arith.constant 0 : i32
    %dma_start3A_34 = tpu.memref_slice %arg2[%select_n3A, %dma_start3A_33] : memref<8x16384xf32, #tpu.memory_space<hbm>> -> memref<1x16384xf32, #tpu.memory_space<hbm>>
    %dma_start3A_35 = tpu.memref_squeeze %dma_start3A_34 : memref<1x16384xf32, #tpu.memory_space<hbm>> -> memref<16384xf32, #tpu.memory_space<hbm>>
    tpu.enqueue_dma source(%dma_start3A_35 : memref<16384xf32, #tpu.memory_space<hbm>>) target(%arg8 : memref<16384xf32, #tpu.memory_space<vmem>>) target_semaphore(%arg13 : memref<!tpu.dma_semaphore, #tpu.memory_space<semaphore_mem>>)
    %dma_start3A_36 = arith.constant 0 : i32
    %dma_start3A_37 = tpu.memref_slice %arg3[%select_n3A, %dma_start3A_36] : memref<8x16384xf32, #tpu.memory_space<hbm>> -> memref<1x16384xf32, #tpu.memory_space<hbm>>
    %dma_start3A_38 = tpu.memref_squeeze %dma_start3A_37 : memref<1x16384xf32, #tpu.memory_space<hbm>> -> memref<16384xf32, #tpu.memory_space<hbm>>
    %dma_start3A_39 = arith.constant 0 : i32
    %dma_start3A_40 = tpu.memref_slice %arg3[%select_n3A, %dma_start3A_39] : memref<8x16384xf32, #tpu.memory_space<hbm>> -> memref<1x16384xf32, #tpu.memory_space<hbm>>
    %dma_start3A_41 = tpu.memref_squeeze %dma_start3A_40 : memref<1x16384xf32, #tpu.memory_space<hbm>> -> memref<16384xf32, #tpu.memory_space<hbm>>
    tpu.enqueue_dma source(%dma_start3A_41 : memref<16384xf32, #tpu.memory_space<hbm>>) target(%arg9 : memref<16384xf32, #tpu.memory_space<vmem>>) target_semaphore(%arg13 : memref<!tpu.dma_semaphore, #tpu.memory_space<semaphore_mem>>)
    %dma_start3A_42 = arith.constant 0 : i32
    %dma_start3A_43 = tpu.memref_slice %arg4[%select_n3A, %select_n3A_30, %dma_start3A_42] : memref<8x4x16384xf32, #tpu.memory_space<hbm>> -> memref<1x1x16384xf32, #tpu.memory_space<hbm>>
    %dma_start3A_44 = tpu.memref_squeeze %dma_start3A_43 : memref<1x1x16384xf32, #tpu.memory_space<hbm>> -> memref<16384xf32, #tpu.memory_space<hbm>>
    %dma_start3A_45 = arith.constant 0 : i32
    %dma_start3A_46 = tpu.memref_slice %arg4[%select_n3A, %select_n3A_30, %dma_start3A_45] : memref<8x4x16384xf32, #tpu.memory_space<hbm>> -> memref<1x1x16384xf32, #tpu.memory_space<hbm>>
    %dma_start3A_47 = tpu.memref_squeeze %dma_start3A_46 : memref<1x1x16384xf32, #tpu.memory_space<hbm>> -> memref<16384xf32, #tpu.memory_space<hbm>>
    tpu.enqueue_dma source(%dma_start3A_47 : memref<16384xf32, #tpu.memory_space<hbm>>) target(%arg10 : memref<16384xf32, #tpu.memory_space<vmem>>) target_semaphore(%arg13 : memref<!tpu.dma_semaphore, #tpu.memory_space<semaphore_mem>>)
    %dma_start3A_48 = arith.constant 0 : i32
    %dma_start3A_49 = tpu.memref_slice %arg5[%select_n3A, %dma_start3A_48] : memref<8x16xf32, #tpu.memory_space<hbm>> -> memref<1x16xf32, #tpu.memory_space<hbm>>
    %dma_start3A_50 = tpu.memref_squeeze %dma_start3A_49 : memref<1x16xf32, #tpu.memory_space<hbm>> -> memref<16xf32, #tpu.memory_space<hbm>>
    %dma_start3A_51 = arith.constant 0 : i32
    %dma_start3A_52 = tpu.memref_slice %arg5[%select_n3A, %dma_start3A_51] : memref<8x16xf32, #tpu.memory_space<hbm>> -> memref<1x16xf32, #tpu.memory_space<hbm>>
    %dma_start3A_53 = tpu.memref_squeeze %dma_start3A_52 : memref<1x16xf32, #tpu.memory_space<hbm>> -> memref<16xf32, #tpu.memory_space<hbm>>
    tpu.enqueue_dma source(%dma_start3A_53 : memref<16xf32, #tpu.memory_space<hbm>>) target(%arg11 : memref<16xf32, #tpu.memory_space<vmem>>) target_semaphore(%arg13 : memref<!tpu.dma_semaphore, #tpu.memory_space<semaphore_mem>>)
    %broadcast_in_dim3A = arith.constant 0.000000e+00 : f32
    %broadcast_in_dim3A_54 = vector.broadcast %broadcast_in_dim3A : f32 to vector<16xf32>
    %parallel_loop3A = arith.constant 0 : i32
    %parallel_loop3A_55 = arith.constant 71296 : i32
    %parallel_loop3A_56 = arith.constant 128 : i32
    scf.for %parallel_loop3A_95 = %parallel_loop3A to %parallel_loop3A_55 step %parallel_loop3A_56  : i32 {
      %parallel_loop3A_96 = arith.constant 0 : i32
      %parallel_loop3A_97 = arith.addi %parallel_loop3A_95, %parallel_loop3A_96 : i32
      %parallel_loop3A_98 = arith.index_cast %parallel_loop3A_97 : i32 to index
      %parallel_loop3A_99 = tpu.vector_load %arg7[%parallel_loop3A_98] {strides = array<i32>} : memref<71296xf32, #tpu.memory_space<vmem>>, vector<16xf32>,
      tpu.vector_store %arg7[%parallel_loop3A_98], %broadcast_in_dim3A_54 {strides = array<i32>} : memref<71296xf32, #tpu.memory_space<vmem>>, vector<16xf32>,
      %parallel_loop3A_100 = arith.constant 16 : i32
      %parallel_loop3A_101 = arith.addi %parallel_loop3A_95, %parallel_loop3A_100 : i32
      %parallel_loop3A_102 = arith.index_cast %parallel_loop3A_101 : i32 to index
      %parallel_loop3A_103 = tpu.vector_load %arg7[%parallel_loop3A_102] {strides = array<i32>} : memref<71296xf32, #tpu.memory_space<vmem>>, vector<16xf32>,
      tpu.vector_store %arg7[%parallel_loop3A_102], %broadcast_in_dim3A_54 {strides = array<i32>} : memref<71296xf32, #tpu.memory_space<vmem>>, vector<16xf32>,
      %parallel_loop3A_104 = arith.constant 32 : i32
      %parallel_loop3A_105 = arith.addi %parallel_loop3A_95, %parallel_loop3A_104 : i32
      %parallel_loop3A_106 = arith.index_cast %parallel_loop3A_105 : i32 to index
      %parallel_loop3A_107 = tpu.vector_load %arg7[%parallel_loop3A_106] {strides = array<i32>} : memref<71296xf32, #tpu.memory_space<vmem>>, vector<16xf32>,
      tpu.vector_store %arg7[%parallel_loop3A_106], %broadcast_in_dim3A_54 {strides = array<i32>} : memref<71296xf32, #tpu.memory_space<vmem>>, vector<16xf32>,
      %parallel_loop3A_108 = arith.constant 48 : i32
      %parallel_loop3A_109 = arith.addi %parallel_loop3A_95, %parallel_loop3A_108 : i32
      %parallel_loop3A_110 = arith.index_cast %parallel_loop3A_109 : i32 to index
      %parallel_loop3A_111 = tpu.vector_load %arg7[%parallel_loop3A_110] {strides = array<i32>} : memref<71296xf32, #tpu.memory_space<vmem>>, vector<16xf32>,
      tpu.vector_store %arg7[%parallel_loop3A_110], %broadcast_in_dim3A_54 {strides = array<i32>} : memref<71296xf32, #tpu.memory_space<vmem>>, vector<16xf32>,
      %parallel_loop3A_112 = arith.constant 64 : i32
      %parallel_loop3A_113 = arith.addi %parallel_loop3A_95, %parallel_loop3A_112 : i32
      %parallel_loop3A_114 = arith.index_cast %parallel_loop3A_113 : i32 to index
      %parallel_loop3A_115 = tpu.vector_load %arg7[%parallel_loop3A_114] {strides = array<i32>} : memref<71296xf32, #tpu.memory_space<vmem>>, vector<16xf32>,
      tpu.vector_store %arg7[%parallel_loop3A_114], %broadcast_in_dim3A_54 {strides = array<i32>} : memref<71296xf32, #tpu.memory_space<vmem>>, vector<16xf32>,
      %parallel_loop3A_116 = arith.constant 80 : i32
      %parallel_loop3A_117 = arith.addi %parallel_loop3A_95, %parallel_loop3A_116 : i32
      %parallel_loop3A_118 = arith.index_cast %parallel_loop3A_117 : i32 to index
      %parallel_loop3A_119 = tpu.vector_load %arg7[%parallel_loop3A_118] {strides = array<i32>} : memref<71296xf32, #tpu.memory_space<vmem>>, vector<16xf32>,
      tpu.vector_store %arg7[%parallel_loop3A_118], %broadcast_in_dim3A_54 {strides = array<i32>} : memref<71296xf32, #tpu.memory_space<vmem>>, vector<16xf32>,
      %parallel_loop3A_120 = arith.constant 96 : i32
      %parallel_loop3A_121 = arith.addi %parallel_loop3A_95, %parallel_loop3A_120 : i32
      %parallel_loop3A_122 = arith.index_cast %parallel_loop3A_121 : i32 to index
      %parallel_loop3A_123 = tpu.vector_load %arg7[%parallel_loop3A_122] {strides = array<i32>} : memref<71296xf32, #tpu.memory_space<vmem>>, vector<16xf32>,
      tpu.vector_store %arg7[%parallel_loop3A_122], %broadcast_in_dim3A_54 {strides = array<i32>} : memref<71296xf32, #tpu.memory_space<vmem>>, vector<16xf32>,
      %parallel_loop3A_124 = arith.constant 112 : i32
      %parallel_loop3A_125 = arith.addi %parallel_loop3A_95, %parallel_loop3A_124 : i32
      %parallel_loop3A_126 = arith.index_cast %parallel_loop3A_125 : i32 to index
      %parallel_loop3A_127 = tpu.vector_load %arg7[%parallel_loop3A_126] {strides = array<i32>} : memref<71296xf32, #tpu.memory_space<vmem>>, vector<16xf32>,
      tpu.vector_store %arg7[%parallel_loop3A_126], %broadcast_in_dim3A_54 {strides = array<i32>} : memref<71296xf32, #tpu.memory_space<vmem>>, vector<16xf32>,
    } {sc.loop_unroll_factor = 1 : i64, sc.parallel_access}
    %dma_wait3A = arith.constant 0 : i32
    %dma_wait3A_57 = tpu.memref_slice %arg2[%select_n3A, %dma_wait3A] : memref<8x16384xf32, #tpu.memory_space<hbm>> -> memref<1x16384xf32, #tpu.memory_space<hbm>>
    %dma_wait3A_58 = tpu.memref_squeeze %dma_wait3A_57 : memref<1x16384xf32, #tpu.memory_space<hbm>> -> memref<16384xf32, #tpu.memory_space<hbm>>
    %dma_wait3A_59 = arith.constant 0 : i32
    %dma_wait3A_60 = tpu.memref_slice %arg2[%select_n3A, %dma_wait3A_59] : memref<8x16384xf32, #tpu.memory_space<hbm>> -> memref<1x16384xf32, #tpu.memory_space<hbm>>
    %dma_wait3A_61 = tpu.memref_squeeze %dma_wait3A_60 : memref<1x16384xf32, #tpu.memory_space<hbm>> -> memref<16384xf32, #tpu.memory_space<hbm>>
    tpu.wait_dma2 semaphore(%arg13 : memref<!tpu.dma_semaphore, #tpu.memory_space<semaphore_mem>>) src(%dma_wait3A_61 : memref<16384xf32, #tpu.memory_space<hbm>>) dst(%arg8 : memref<16384xf32, #tpu.memory_space<vmem>>)
    %dma_wait3A_62 = arith.constant 0 : i32
    %dma_wait3A_63 = tpu.memref_slice %arg3[%select_n3A, %dma_wait3A_62] : memref<8x16384xf32, #tpu.memory_space<hbm>> -> memref<1x16384xf32, #tpu.memory_space<hbm>>
    %dma_wait3A_64 = tpu.memref_squeeze %dma_wait3A_63 : memref<1x16384xf32, #tpu.memory_space<hbm>> -> memref<16384xf32, #tpu.memory_space<hbm>>
    %dma_wait3A_65 = arith.constant 0 : i32
    %dma_wait3A_66 = tpu.memref_slice %arg3[%select_n3A, %dma_wait3A_65] : memref<8x16384xf32, #tpu.memory_space<hbm>> -> memref<1x16384xf32, #tpu.memory_space<hbm>>
    %dma_wait3A_67 = tpu.memref_squeeze %dma_wait3A_66 : memref<1x16384xf32, #tpu.memory_space<hbm>> -> memref<16384xf32, #tpu.memory_space<hbm>>
    tpu.wait_dma2 semaphore(%arg13 : memref<!tpu.dma_semaphore, #tpu.memory_space<semaphore_mem>>) src(%dma_wait3A_67 : memref<16384xf32, #tpu.memory_space<hbm>>) dst(%arg9 : memref<16384xf32, #tpu.memory_space<vmem>>)
    %dma_wait3A_68 = arith.constant 0 : i32
    %dma_wait3A_69 = tpu.memref_slice %arg4[%select_n3A, %select_n3A_30, %dma_wait3A_68] : memref<8x4x16384xf32, #tpu.memory_space<hbm>> -> memref<1x1x16384xf32, #tpu.memory_space<hbm>>
    %dma_wait3A_70 = tpu.memref_squeeze %dma_wait3A_69 : memref<1x1x16384xf32, #tpu.memory_space<hbm>> -> memref<16384xf32, #tpu.memory_space<hbm>>
    %dma_wait3A_71 = arith.constant 0 : i32
    %dma_wait3A_72 = tpu.memref_slice %arg4[%select_n3A, %select_n3A_30, %dma_wait3A_71] : memref<8x4x16384xf32, #tpu.memory_space<hbm>> -> memref<1x1x16384xf32, #tpu.memory_space<hbm>>
    %dma_wait3A_73 = tpu.memref_squeeze %dma_wait3A_72 : memref<1x1x16384xf32, #tpu.memory_space<hbm>> -> memref<16384xf32, #tpu.memory_space<hbm>>
    tpu.wait_dma2 semaphore(%arg13 : memref<!tpu.dma_semaphore, #tpu.memory_space<semaphore_mem>>) src(%dma_wait3A_73 : memref<16384xf32, #tpu.memory_space<hbm>>) dst(%arg10 : memref<16384xf32, #tpu.memory_space<vmem>>)
    %dma_wait3A_74 = arith.constant 0 : i32
    %dma_wait3A_75 = tpu.memref_slice %arg5[%select_n3A, %dma_wait3A_74] : memref<8x16xf32, #tpu.memory_space<hbm>> -> memref<1x16xf32, #tpu.memory_space<hbm>>
    %dma_wait3A_76 = tpu.memref_squeeze %dma_wait3A_75 : memref<1x16xf32, #tpu.memory_space<hbm>> -> memref<16xf32, #tpu.memory_space<hbm>>
    %dma_wait3A_77 = arith.constant 0 : i32
    %dma_wait3A_78 = tpu.memref_slice %arg5[%select_n3A, %dma_wait3A_77] : memref<8x16xf32, #tpu.memory_space<hbm>> -> memref<1x16xf32, #tpu.memory_space<hbm>>
    %dma_wait3A_79 = tpu.memref_squeeze %dma_wait3A_78 : memref<1x16xf32, #tpu.memory_space<hbm>> -> memref<16xf32, #tpu.memory_space<hbm>>
    tpu.wait_dma2 semaphore(%arg13 : memref<!tpu.dma_semaphore, #tpu.memory_space<semaphore_mem>>) src(%dma_wait3A_79 : memref<16xf32, #tpu.memory_space<hbm>>) dst(%arg11 : memref<16xf32, #tpu.memory_space<vmem>>)
    %get3A = arith.constant 0 : index
    %get3A_80 = tpu.vector_load %arg11[%get3A] {strides = array<i32>} : memref<16xf32, #tpu.memory_space<vmem>>, vector<16xf32>,
    %parallel_loop3A_81 = arith.constant 0 : i32
    %parallel_loop3A_82 = arith.constant 16384 : i32
    %parallel_loop3A_83 = arith.constant 16 : i32
    scf.for %parallel_loop3A_95 = %parallel_loop3A_81 to %parallel_loop3A_82 step %parallel_loop3A_83  : i32 {
      %parallel_loop3A_96 = arith.index_cast %parallel_loop3A_95 : i32 to index
      %parallel_loop3A_97 = tpu.vector_load %arg8[%parallel_loop3A_96] {strides = array<i32>} : memref<16384xf32, #tpu.memory_space<vmem>>, vector<16xf32>,
      %parallel_loop3A_98 = arith.index_cast %parallel_loop3A_95 : i32 to index
      %parallel_loop3A_99 = tpu.vector_load %arg9[%parallel_loop3A_98] {strides = array<i32>} : memref<16384xf32, #tpu.memory_space<vmem>>, vector<16xf32>,
      %parallel_loop3A_100 = arith.index_cast %parallel_loop3A_95 : i32 to index
      %parallel_loop3A_101 = tpu.vector_load %arg10[%parallel_loop3A_100] {strides = array<i32>} : memref<16384xf32, #tpu.memory_space<vmem>>, vector<16xf32>,
      %parallel_loop3A_102 = arith.constant 5.000000e-01 : f32
      %parallel_loop3A_103 = vector.broadcast %parallel_loop3A_102 : f32 to vector<16xf32>
      %parallel_loop3A_104 = arith.addf %parallel_loop3A_97, %parallel_loop3A_103 : vector<16xf32>
      %parallel_loop3A_105 = arith.constant 5.000000e-01 : f32
      %parallel_loop3A_106 = vector.broadcast %parallel_loop3A_105 : f32 to vector<16xf32>
      %parallel_loop3A_107 = arith.addf %parallel_loop3A_99, %parallel_loop3A_106 : vector<16xf32>
      %parallel_loop3A_108 = arith.fptosi %parallel_loop3A_104 : vector<16xf32> to vector<16xi32>
      %parallel_loop3A_109 = arith.fptosi %parallel_loop3A_107 : vector<16xf32> to vector<16xi32>
      %parallel_loop3A_110 = arith.sitofp %parallel_loop3A_108 : vector<16xi32> to vector<16xf32>
      %parallel_loop3A_111 = arith.cmpf ogt, %parallel_loop3A_110, %parallel_loop3A_104 : vector<16xf32>
      %parallel_loop3A_112 = arith.constant 1 : i32
      %parallel_loop3A_113 = arith.constant 0 : i32
      %parallel_loop3A_114 = vector.broadcast %parallel_loop3A_112 : i32 to vector<16xi32>
      %parallel_loop3A_115 = vector.broadcast %parallel_loop3A_113 : i32 to vector<16xi32>
      %parallel_loop3A_116 = arith.select %parallel_loop3A_111, %parallel_loop3A_114, %parallel_loop3A_115 : vector<16xi1>, vector<16xi32>
      %parallel_loop3A_117 = arith.subi %parallel_loop3A_108, %parallel_loop3A_116 : vector<16xi32>
      %parallel_loop3A_118 = arith.sitofp %parallel_loop3A_109 : vector<16xi32> to vector<16xf32>
      %parallel_loop3A_119 = arith.cmpf ogt, %parallel_loop3A_118, %parallel_loop3A_107 : vector<16xf32>
      %parallel_loop3A_120 = arith.constant 1 : i32
      %parallel_loop3A_121 = arith.constant 0 : i32
      %parallel_loop3A_122 = vector.broadcast %parallel_loop3A_120 : i32 to vector<16xi32>
      %parallel_loop3A_123 = vector.broadcast %parallel_loop3A_121 : i32 to vector<16xi32>
      %parallel_loop3A_124 = arith.select %parallel_loop3A_119, %parallel_loop3A_122, %parallel_loop3A_123 : vector<16xi1>, vector<16xi32>
      %parallel_loop3A_125 = arith.subi %parallel_loop3A_109, %parallel_loop3A_124 : vector<16xi32>
      %parallel_loop3A_126 = arith.sitofp %parallel_loop3A_117 : vector<16xi32> to vector<16xf32>
      %parallel_loop3A_127 = arith.subf %parallel_loop3A_126, %parallel_loop3A_97 : vector<16xf32>
      %parallel_loop3A_128 = arith.sitofp %parallel_loop3A_125 : vector<16xi32> to vector<16xf32>
      %parallel_loop3A_129 = arith.subf %parallel_loop3A_128, %parallel_loop3A_99 : vector<16xf32>
      %parallel_loop3A_130 = arith.constant -3.000000e+00 : f32
      %parallel_loop3A_131 = vector.broadcast %parallel_loop3A_130 : f32 to vector<16xf32>
      %parallel_loop3A_132 = arith.addf %parallel_loop3A_127, %parallel_loop3A_131 : vector<16xf32>
      %parallel_loop3A_133 = arith.mulf %parallel_loop3A_132, %parallel_loop3A_132 : vector<16xf32>
      %parallel_loop3A_134 = arith.mulf %parallel_loop3A_133, %get3A_80 : vector<16xf32>
      %parallel_loop3A_135 = math.exp %parallel_loop3A_134 : vector<16xf32>
      %parallel_loop3A_136 = arith.mulf %parallel_loop3A_135, %parallel_loop3A_101 : vector<16xf32>
      %parallel_loop3A_137 = arith.constant -3.000000e+00 : f32
      %parallel_loop3A_138 = vector.broadcast %parallel_loop3A_137 : f32 to vector<16xf32>
      %parallel_loop3A_139 = arith.addf %parallel_loop3A_129, %parallel_loop3A_138 : vector<16xf32>
      %parallel_loop3A_140 = arith.mulf %parallel_loop3A_139, %parallel_loop3A_139 : vector<16xf32>
      %parallel_loop3A_141 = arith.mulf %parallel_loop3A_140, %get3A_80 : vector<16xf32>
      %parallel_loop3A_142 = math.exp %parallel_loop3A_141 : vector<16xf32>
      %parallel_loop3A_143 = arith.constant -2.000000e+00 : f32
      %parallel_loop3A_144 = vector.broadcast %parallel_loop3A_143 : f32 to vector<16xf32>
      %parallel_loop3A_145 = arith.addf %parallel_loop3A_127, %parallel_loop3A_144 : vector<16xf32>
      %parallel_loop3A_146 = arith.mulf %parallel_loop3A_145, %parallel_loop3A_145 : vector<16xf32>
      %parallel_loop3A_147 = arith.mulf %parallel_loop3A_146, %get3A_80 : vector<16xf32>
      %parallel_loop3A_148 = math.exp %parallel_loop3A_147 : vector<16xf32>
      %parallel_loop3A_149 = arith.mulf %parallel_loop3A_148, %parallel_loop3A_101 : vector<16xf32>
      %parallel_loop3A_150 = arith.constant -2.000000e+00 : f32
      %parallel_loop3A_151 = vector.broadcast %parallel_loop3A_150 : f32 to vector<16xf32>
      %parallel_loop3A_152 = arith.addf %parallel_loop3A_129, %parallel_loop3A_151 : vector<16xf32>
      %parallel_loop3A_153 = arith.mulf %parallel_loop3A_152, %parallel_loop3A_152 : vector<16xf32>
      %parallel_loop3A_154 = arith.mulf %parallel_loop3A_153, %get3A_80 : vector<16xf32>
      %parallel_loop3A_155 = math.exp %parallel_loop3A_154 : vector<16xf32>
      %parallel_loop3A_156 = arith.constant -1.000000e+00 : f32
      %parallel_loop3A_157 = vector.broadcast %parallel_loop3A_156 : f32 to vector<16xf32>
      %parallel_loop3A_158 = arith.addf %parallel_loop3A_127, %parallel_loop3A_157 : vector<16xf32>
      %parallel_loop3A_159 = arith.mulf %parallel_loop3A_158, %parallel_loop3A_158 : vector<16xf32>
      %parallel_loop3A_160 = arith.mulf %parallel_loop3A_159, %get3A_80 : vector<16xf32>
      %parallel_loop3A_161 = math.exp %parallel_loop3A_160 : vector<16xf32>
      %parallel_loop3A_162 = arith.mulf %parallel_loop3A_161, %parallel_loop3A_101 : vector<16xf32>
      %parallel_loop3A_163 = arith.constant -1.000000e+00 : f32
      %parallel_loop3A_164 = vector.broadcast %parallel_loop3A_163 : f32 to vector<16xf32>
      %parallel_loop3A_165 = arith.addf %parallel_loop3A_129, %parallel_loop3A_164 : vector<16xf32>
      %parallel_loop3A_166 = arith.mulf %parallel_loop3A_165, %parallel_loop3A_165 : vector<16xf32>
      %parallel_loop3A_167 = arith.mulf %parallel_loop3A_166, %get3A_80 : vector<16xf32>
      %parallel_loop3A_168 = math.exp %parallel_loop3A_167 : vector<16xf32>
      %parallel_loop3A_169 = arith.constant 0.000000e+00 : f32
      %parallel_loop3A_170 = vector.broadcast %parallel_loop3A_169 : f32 to vector<16xf32>
      %parallel_loop3A_171 = arith.addf %parallel_loop3A_127, %parallel_loop3A_170 : vector<16xf32>
      %parallel_loop3A_172 = arith.mulf %parallel_loop3A_171, %parallel_loop3A_171 : vector<16xf32>
      %parallel_loop3A_173 = arith.mulf %parallel_loop3A_172, %get3A_80 : vector<16xf32>
      %parallel_loop3A_174 = math.exp %parallel_loop3A_173 : vector<16xf32>
      %parallel_loop3A_175 = arith.mulf %parallel_loop3A_174, %parallel_loop3A_101 : vector<16xf32>
      %parallel_loop3A_176 = arith.constant 0.000000e+00 : f32
      %parallel_loop3A_177 = vector.broadcast %parallel_loop3A_176 : f32 to vector<16xf32>
      %parallel_loop3A_178 = arith.addf %parallel_loop3A_129, %parallel_loop3A_177 : vector<16xf32>
      %parallel_loop3A_179 = arith.mulf %parallel_loop3A_178, %parallel_loop3A_178 : vector<16xf32>
      %parallel_loop3A_180 = arith.mulf %parallel_loop3A_179, %get3A_80 : vector<16xf32>
      %parallel_loop3A_181 = math.exp %parallel_loop3A_180 : vector<16xf32>
      %parallel_loop3A_182 = arith.constant 1.000000e+00 : f32
      %parallel_loop3A_183 = vector.broadcast %parallel_loop3A_182 : f32 to vector<16xf32>
      %parallel_loop3A_184 = arith.addf %parallel_loop3A_127, %parallel_loop3A_183 : vector<16xf32>
      %parallel_loop3A_185 = arith.mulf %parallel_loop3A_184, %parallel_loop3A_184 : vector<16xf32>
      %parallel_loop3A_186 = arith.mulf %parallel_loop3A_185, %get3A_80 : vector<16xf32>
      %parallel_loop3A_187 = math.exp %parallel_loop3A_186 : vector<16xf32>
      %parallel_loop3A_188 = arith.mulf %parallel_loop3A_187, %parallel_loop3A_101 : vector<16xf32>
      %parallel_loop3A_189 = arith.constant 1.000000e+00 : f32
      %parallel_loop3A_190 = vector.broadcast %parallel_loop3A_189 : f32 to vector<16xf32>
      %parallel_loop3A_191 = arith.addf %parallel_loop3A_129, %parallel_loop3A_190 : vector<16xf32>
      %parallel_loop3A_192 = arith.mulf %parallel_loop3A_191, %parallel_loop3A_191 : vector<16xf32>
      %parallel_loop3A_193 = arith.mulf %parallel_loop3A_192, %get3A_80 : vector<16xf32>
      %parallel_loop3A_194 = math.exp %parallel_loop3A_193 : vector<16xf32>
      %parallel_loop3A_195 = arith.constant 2.000000e+00 : f32
      %parallel_loop3A_196 = vector.broadcast %parallel_loop3A_195 : f32 to vector<16xf32>
      %parallel_loop3A_197 = arith.addf %parallel_loop3A_127, %parallel_loop3A_196 : vector<16xf32>
      %parallel_loop3A_198 = arith.mulf %parallel_loop3A_197, %parallel_loop3A_197 : vector<16xf32>
      %parallel_loop3A_199 = arith.mulf %parallel_loop3A_198, %get3A_80 : vector<16xf32>
      %parallel_loop3A_200 = math.exp %parallel_loop3A_199 : vector<16xf32>
      %parallel_loop3A_201 = arith.mulf %parallel_loop3A_200, %parallel_loop3A_101 : vector<16xf32>
      %parallel_loop3A_202 = arith.constant 2.000000e+00 : f32
      %parallel_loop3A_203 = vector.broadcast %parallel_loop3A_202 : f32 to vector<16xf32>
      %parallel_loop3A_204 = arith.addf %parallel_loop3A_129, %parallel_loop3A_203 : vector<16xf32>
      %parallel_loop3A_205 = arith.mulf %parallel_loop3A_204, %parallel_loop3A_204 : vector<16xf32>
      %parallel_loop3A_206 = arith.mulf %parallel_loop3A_205, %get3A_80 : vector<16xf32>
      %parallel_loop3A_207 = math.exp %parallel_loop3A_206 : vector<16xf32>
      %parallel_loop3A_208 = arith.constant 3.000000e+00 : f32
      %parallel_loop3A_209 = vector.broadcast %parallel_loop3A_208 : f32 to vector<16xf32>
      %parallel_loop3A_210 = arith.addf %parallel_loop3A_127, %parallel_loop3A_209 : vector<16xf32>
      %parallel_loop3A_211 = arith.mulf %parallel_loop3A_210, %parallel_loop3A_210 : vector<16xf32>
      %parallel_loop3A_212 = arith.mulf %parallel_loop3A_211, %get3A_80 : vector<16xf32>
      %parallel_loop3A_213 = math.exp %parallel_loop3A_212 : vector<16xf32>
      %parallel_loop3A_214 = arith.mulf %parallel_loop3A_213, %parallel_loop3A_101 : vector<16xf32>
      %parallel_loop3A_215 = arith.constant 3.000000e+00 : f32
      %parallel_loop3A_216 = vector.broadcast %parallel_loop3A_215 : f32 to vector<16xf32>
      %parallel_loop3A_217 = arith.addf %parallel_loop3A_129, %parallel_loop3A_216 : vector<16xf32>
      %parallel_loop3A_218 = arith.mulf %parallel_loop3A_217, %parallel_loop3A_217 : vector<16xf32>
      %parallel_loop3A_219 = arith.mulf %parallel_loop3A_218, %get3A_80 : vector<16xf32>
      %parallel_loop3A_220 = math.exp %parallel_loop3A_219 : vector<16xf32>
      %parallel_loop3A_221 = arith.constant 8 : i32
      %parallel_loop3A_222 = vector.broadcast %parallel_loop3A_221 : i32 to vector<16xi32>
      %parallel_loop3A_223 = arith.shli %parallel_loop3A_125, %parallel_loop3A_222 : vector<16xi32>
      %parallel_loop3A_224 = arith.constant 4 : i32
      %parallel_loop3A_225 = vector.broadcast %parallel_loop3A_224 : i32 to vector<16xi32>
      %parallel_loop3A_226 = arith.shli %parallel_loop3A_125, %parallel_loop3A_225 : vector<16xi32>
      %parallel_loop3A_227 = arith.addi %parallel_loop3A_223, %parallel_loop3A_226 : vector<16xi32>
      %parallel_loop3A_228 = arith.constant 5 : i32
      %parallel_loop3A_229 = vector.broadcast %parallel_loop3A_228 : i32 to vector<16xi32>
      %parallel_loop3A_230 = arith.addi %parallel_loop3A_117, %parallel_loop3A_229 : vector<16xi32>
      %parallel_loop3A_231 = arith.addi %parallel_loop3A_227, %parallel_loop3A_230 : vector<16xi32>
      %parallel_loop3A_232 = arith.constant 0 : i32
      %parallel_loop3A_233 = vector.broadcast %parallel_loop3A_232 : i32 to vector<16xi32>
      %parallel_loop3A_234 = arith.addi %parallel_loop3A_231, %parallel_loop3A_233 : vector<16xi32>
      %parallel_loop3A_235 = arith.constant 1 : i32
      %parallel_loop3A_236 = vector.broadcast %parallel_loop3A_235 : i32 to vector<16xi32>
      %parallel_loop3A_237 = arith.addi %parallel_loop3A_231, %parallel_loop3A_236 : vector<16xi32>
      %parallel_loop3A_238 = arith.constant 2 : i32
      %parallel_loop3A_239 = vector.broadcast %parallel_loop3A_238 : i32 to vector<16xi32>
      %parallel_loop3A_240 = arith.addi %parallel_loop3A_231, %parallel_loop3A_239 : vector<16xi32>
      %parallel_loop3A_241 = arith.constant 3 : i32
      %parallel_loop3A_242 = vector.broadcast %parallel_loop3A_241 : i32 to vector<16xi32>
      %parallel_loop3A_243 = arith.addi %parallel_loop3A_231, %parallel_loop3A_242 : vector<16xi32>
      %parallel_loop3A_244 = arith.constant 4 : i32
      %parallel_loop3A_245 = vector.broadcast %parallel_loop3A_244 : i32 to vector<16xi32>
      %parallel_loop3A_246 = arith.addi %parallel_loop3A_231, %parallel_loop3A_245 : vector<16xi32>
      %parallel_loop3A_247 = arith.constant 5 : i32
      %parallel_loop3A_248 = vector.broadcast %parallel_loop3A_247 : i32 to vector<16xi32>
      %parallel_loop3A_249 = arith.addi %parallel_loop3A_231, %parallel_loop3A_248 : vector<16xi32>
      %parallel_loop3A_250 = arith.constant 6 : i32
      %parallel_loop3A_251 = vector.broadcast %parallel_loop3A_250 : i32 to vector<16xi32>
      %parallel_loop3A_252 = arith.addi %parallel_loop3A_231, %parallel_loop3A_251 : vector<16xi32>
      %parallel_loop3A_253 = arith.mulf %parallel_loop3A_142, %parallel_loop3A_136 : vector<16xf32>
      %parallel_loop3A_254 = arith.constant 0 : i32
      %parallel_loop3A_255 = tpu.memref_slice %arg7[%parallel_loop3A_254] : memref<71296xf32, #tpu.memory_space<vmem>> -> memref<69632xf32, #tpu.memory_space<vmem>>
      tpu.vector_store_idx %parallel_loop3A_255[%parallel_loop3A_234], %parallel_loop3A_253 {add = true} : memref<69632xf32, #tpu.memory_space<vmem>>[vector<16xi32>], vector<16xf32>,
      %parallel_loop3A_256 = arith.mulf %parallel_loop3A_142, %parallel_loop3A_149 : vector<16xf32>
      %parallel_loop3A_257 = arith.constant 0 : i32
      %parallel_loop3A_258 = tpu.memref_slice %arg7[%parallel_loop3A_257] : memref<71296xf32, #tpu.memory_space<vmem>> -> memref<69632xf32, #tpu.memory_space<vmem>>
      tpu.vector_store_idx %parallel_loop3A_258[%parallel_loop3A_237], %parallel_loop3A_256 {add = true} : memref<69632xf32, #tpu.memory_space<vmem>>[vector<16xi32>], vector<16xf32>,
      %parallel_loop3A_259 = arith.mulf %parallel_loop3A_142, %parallel_loop3A_162 : vector<16xf32>
      %parallel_loop3A_260 = arith.constant 0 : i32
      %parallel_loop3A_261 = tpu.memref_slice %arg7[%parallel_loop3A_260] : memref<71296xf32, #tpu.memory_space<vmem>> -> memref<69632xf32, #tpu.memory_space<vmem>>
      tpu.vector_store_idx %parallel_loop3A_261[%parallel_loop3A_240], %parallel_loop3A_259 {add = true} : memref<69632xf32, #tpu.memory_space<vmem>>[vector<16xi32>], vector<16xf32>,
      %parallel_loop3A_262 = arith.mulf %parallel_loop3A_142, %parallel_loop3A_175 : vector<16xf32>
      %parallel_loop3A_263 = arith.constant 0 : i32
      %parallel_loop3A_264 = tpu.memref_slice %arg7[%parallel_loop3A_263] : memref<71296xf32, #tpu.memory_space<vmem>> -> memref<69632xf32, #tpu.memory_space<vmem>>
      tpu.vector_store_idx %parallel_loop3A_264[%parallel_loop3A_243], %parallel_loop3A_262 {add = true} : memref<69632xf32, #tpu.memory_space<vmem>>[vector<16xi32>], vector<16xf32>,
      %parallel_loop3A_265 = arith.mulf %parallel_loop3A_142, %parallel_loop3A_188 : vector<16xf32>
      %parallel_loop3A_266 = arith.constant 0 : i32
      %parallel_loop3A_267 = tpu.memref_slice %arg7[%parallel_loop3A_266] : memref<71296xf32, #tpu.memory_space<vmem>> -> memref<69632xf32, #tpu.memory_space<vmem>>
      tpu.vector_store_idx %parallel_loop3A_267[%parallel_loop3A_246], %parallel_loop3A_265 {add = true} : memref<69632xf32, #tpu.memory_space<vmem>>[vector<16xi32>], vector<16xf32>,
      %parallel_loop3A_268 = arith.mulf %parallel_loop3A_142, %parallel_loop3A_201 : vector<16xf32>
      %parallel_loop3A_269 = arith.constant 0 : i32
      %parallel_loop3A_270 = tpu.memref_slice %arg7[%parallel_loop3A_269] : memref<71296xf32, #tpu.memory_space<vmem>> -> memref<69632xf32, #tpu.memory_space<vmem>>
      tpu.vector_store_idx %parallel_loop3A_270[%parallel_loop3A_249], %parallel_loop3A_268 {add = true} : memref<69632xf32, #tpu.memory_space<vmem>>[vector<16xi32>], vector<16xf32>,
      %parallel_loop3A_271 = arith.mulf %parallel_loop3A_142, %parallel_loop3A_214 : vector<16xf32>
      %parallel_loop3A_272 = arith.constant 0 : i32
      %parallel_loop3A_273 = tpu.memref_slice %arg7[%parallel_loop3A_272] : memref<71296xf32, #tpu.memory_space<vmem>> -> memref<69632xf32, #tpu.memory_space<vmem>>
      tpu.vector_store_idx %parallel_loop3A_273[%parallel_loop3A_252], %parallel_loop3A_271 {add = true} : memref<69632xf32, #tpu.memory_space<vmem>>[vector<16xi32>], vector<16xf32>,
      %parallel_loop3A_274 = arith.mulf %parallel_loop3A_155, %parallel_loop3A_136 : vector<16xf32>
      %parallel_loop3A_275 = arith.constant 272 : i32
      %parallel_loop3A_276 = tpu.memref_slice %arg7[%parallel_loop3A_275] : memref<71296xf32, #tpu.memory_space<vmem>> -> memref<69632xf32, #tpu.memory_space<vmem>>
      tpu.vector_store_idx %parallel_loop3A_276[%parallel_loop3A_234], %parallel_loop3A_274 {add = true} : memref<69632xf32, #tpu.memory_space<vmem>>[vector<16xi32>], vector<16xf32>,
      %parallel_loop3A_277 = arith.mulf %parallel_loop3A_155, %parallel_loop3A_149 : vector<16xf32>
      %parallel_loop3A_278 = arith.constant 272 : i32
      %parallel_loop3A_279 = tpu.memref_slice %arg7[%parallel_loop3A_278] : memref<71296xf32, #tpu.memory_space<vmem>> -> memref<69632xf32, #tpu.memory_space<vmem>>
      tpu.vector_store_idx %parallel_loop3A_279[%parallel_loop3A_237], %parallel_loop3A_277 {add = true} : memref<69632xf32, #tpu.memory_space<vmem>>[vector<16xi32>], vector<16xf32>,
      %parallel_loop3A_280 = arith.mulf %parallel_loop3A_155, %parallel_loop3A_162 : vector<16xf32>
      %parallel_loop3A_281 = arith.constant 272 : i32
      %parallel_loop3A_282 = tpu.memref_slice %arg7[%parallel_loop3A_281] : memref<71296xf32, #tpu.memory_space<vmem>> -> memref<69632xf32, #tpu.memory_space<vmem>>
      tpu.vector_store_idx %parallel_loop3A_282[%parallel_loop3A_240], %parallel_loop3A_280 {add = true} : memref<69632xf32, #tpu.memory_space<vmem>>[vector<16xi32>], vector<16xf32>,
      %parallel_loop3A_283 = arith.mulf %parallel_loop3A_155, %parallel_loop3A_175 : vector<16xf32>
      %parallel_loop3A_284 = arith.constant 272 : i32
      %parallel_loop3A_285 = tpu.memref_slice %arg7[%parallel_loop3A_284] : memref<71296xf32, #tpu.memory_space<vmem>> -> memref<69632xf32, #tpu.memory_space<vmem>>
      tpu.vector_store_idx %parallel_loop3A_285[%parallel_loop3A_243], %parallel_loop3A_283 {add = true} : memref<69632xf32, #tpu.memory_space<vmem>>[vector<16xi32>], vector<16xf32>,
      %parallel_loop3A_286 = arith.mulf %parallel_loop3A_155, %parallel_loop3A_188 : vector<16xf32>
      %parallel_loop3A_287 = arith.constant 272 : i32
      %parallel_loop3A_288 = tpu.memref_slice %arg7[%parallel_loop3A_287] : memref<71296xf32, #tpu.memory_space<vmem>> -> memref<69632xf32, #tpu.memory_space<vmem>>
      tpu.vector_store_idx %parallel_loop3A_288[%parallel_loop3A_246], %parallel_loop3A_286 {add = true} : memref<69632xf32, #tpu.memory_space<vmem>>[vector<16xi32>], vector<16xf32>,
      %parallel_loop3A_289 = arith.mulf %parallel_loop3A_155, %parallel_loop3A_201 : vector<16xf32>
      %parallel_loop3A_290 = arith.constant 272 : i32
      %parallel_loop3A_291 = tpu.memref_slice %arg7[%parallel_loop3A_290] : memref<71296xf32, #tpu.memory_space<vmem>> -> memref<69632xf32, #tpu.memory_space<vmem>>
      tpu.vector_store_idx %parallel_loop3A_291[%parallel_loop3A_249], %parallel_loop3A_289 {add = true} : memref<69632xf32, #tpu.memory_space<vmem>>[vector<16xi32>], vector<16xf32>,
      %parallel_loop3A_292 = arith.mulf %parallel_loop3A_155, %parallel_loop3A_214 : vector<16xf32>
      %parallel_loop3A_293 = arith.constant 272 : i32
      %parallel_loop3A_294 = tpu.memref_slice %arg7[%parallel_loop3A_293] : memref<71296xf32, #tpu.memory_space<vmem>> -> memref<69632xf32, #tpu.memory_space<vmem>>
      tpu.vector_store_idx %parallel_loop3A_294[%parallel_loop3A_252], %parallel_loop3A_292 {add = true} : memref<69632xf32, #tpu.memory_space<vmem>>[vector<16xi32>], vector<16xf32>,
      %parallel_loop3A_295 = arith.mulf %parallel_loop3A_168, %parallel_loop3A_136 : vector<16xf32>
      %parallel_loop3A_296 = arith.constant 544 : i32
      %parallel_loop3A_297 = tpu.memref_slice %arg7[%parallel_loop3A_296] : memref<71296xf32, #tpu.memory_space<vmem>> -> memref<69632xf32, #tpu.memory_space<vmem>>
      tpu.vector_store_idx %parallel_loop3A_297[%parallel_loop3A_234], %parallel_loop3A_295 {add = true} : memref<69632xf32, #tpu.memory_space<vmem>>[vector<16xi32>], vector<16xf32>,
      %parallel_loop3A_298 = arith.mulf %parallel_loop3A_168, %parallel_loop3A_149 : vector<16xf32>
      %parallel_loop3A_299 = arith.constant 544 : i32
      %parallel_loop3A_300 = tpu.memref_slice %arg7[%parallel_loop3A_299] : memref<71296xf32, #tpu.memory_space<vmem>> -> memref<69632xf32, #tpu.memory_space<vmem>>
      tpu.vector_store_idx %parallel_loop3A_300[%parallel_loop3A_237], %parallel_loop3A_298 {add = true} : memref<69632xf32, #tpu.memory_space<vmem>>[vector<16xi32>], vector<16xf32>,
      %parallel_loop3A_301 = arith.mulf %parallel_loop3A_168, %parallel_loop3A_162 : vector<16xf32>
      %parallel_loop3A_302 = arith.constant 544 : i32
      %parallel_loop3A_303 = tpu.memref_slice %arg7[%parallel_loop3A_302] : memref<71296xf32, #tpu.memory_space<vmem>> -> memref<69632xf32, #tpu.memory_space<vmem>>
      tpu.vector_store_idx %parallel_loop3A_303[%parallel_loop3A_240], %parallel_loop3A_301 {add = true} : memref<69632xf32, #tpu.memory_space<vmem>>[vector<16xi32>], vector<16xf32>,
      %parallel_loop3A_304 = arith.mulf %parallel_loop3A_168, %parallel_loop3A_175 : vector<16xf32>
      %parallel_loop3A_305 = arith.constant 544 : i32
      %parallel_loop3A_306 = tpu.memref_slice %arg7[%parallel_loop3A_305] : memref<71296xf32, #tpu.memory_space<vmem>> -> memref<69632xf32, #tpu.memory_space<vmem>>
      tpu.vector_store_idx %parallel_loop3A_306[%parallel_loop3A_243], %parallel_loop3A_304 {add = true} : memref<69632xf32, #tpu.memory_space<vmem>>[vector<16xi32>], vector<16xf32>,
      %parallel_loop3A_307 = arith.mulf %parallel_loop3A_168, %parallel_loop3A_188 : vector<16xf32>
      %parallel_loop3A_308 = arith.constant 544 : i32
      %parallel_loop3A_309 = tpu.memref_slice %arg7[%parallel_loop3A_308] : memref<71296xf32, #tpu.memory_space<vmem>> -> memref<69632xf32, #tpu.memory_space<vmem>>
      tpu.vector_store_idx %parallel_loop3A_309[%parallel_loop3A_246], %parallel_loop3A_307 {add = true} : memref<69632xf32, #tpu.memory_space<vmem>>[vector<16xi32>], vector<16xf32>,
      %parallel_loop3A_310 = arith.mulf %parallel_loop3A_168, %parallel_loop3A_201 : vector<16xf32>
      %parallel_loop3A_311 = arith.constant 544 : i32
      %parallel_loop3A_312 = tpu.memref_slice %arg7[%parallel_loop3A_311] : memref<71296xf32, #tpu.memory_space<vmem>> -> memref<69632xf32, #tpu.memory_space<vmem>>
      tpu.vector_store_idx %parallel_loop3A_312[%parallel_loop3A_249], %parallel_loop3A_310 {add = true} : memref<69632xf32, #tpu.memory_space<vmem>>[vector<16xi32>], vector<16xf32>,
      %parallel_loop3A_313 = arith.mulf %parallel_loop3A_168, %parallel_loop3A_214 : vector<16xf32>
      %parallel_loop3A_314 = arith.constant 544 : i32
      %parallel_loop3A_315 = tpu.memref_slice %arg7[%parallel_loop3A_314] : memref<71296xf32, #tpu.memory_space<vmem>> -> memref<69632xf32, #tpu.memory_space<vmem>>
      tpu.vector_store_idx %parallel_loop3A_315[%parallel_loop3A_252], %parallel_loop3A_313 {add = true} : memref<69632xf32, #tpu.memory_space<vmem>>[vector<16xi32>], vector<16xf32>,
      %parallel_loop3A_316 = arith.mulf %parallel_loop3A_181, %parallel_loop3A_136 : vector<16xf32>
      %parallel_loop3A_317 = arith.constant 816 : i32
      %parallel_loop3A_318 = tpu.memref_slice %arg7[%parallel_loop3A_317] : memref<71296xf32, #tpu.memory_space<vmem>> -> memref<69632xf32, #tpu.memory_space<vmem>>
      tpu.vector_store_idx %parallel_loop3A_318[%parallel_loop3A_234], %parallel_loop3A_316 {add = true} : memref<69632xf32, #tpu.memory_space<vmem>>[vector<16xi32>], vector<16xf32>,
      %parallel_loop3A_319 = arith.mulf %parallel_loop3A_181, %parallel_loop3A_149 : vector<16xf32>
      %parallel_loop3A_320 = arith.constant 816 : i32
      %parallel_loop3A_321 = tpu.memref_slice %arg7[%parallel_loop3A_320] : memref<71296xf32, #tpu.memory_space<vmem>> -> memref<69632xf32, #tpu.memory_space<vmem>>
      tpu.vector_store_idx %parallel_loop3A_321[%parallel_loop3A_237], %parallel_loop3A_319 {add = true} : memref<69632xf32, #tpu.memory_space<vmem>>[vector<16xi32>], vector<16xf32>,
      %parallel_loop3A_322 = arith.mulf %parallel_loop3A_181, %parallel_loop3A_162 : vector<16xf32>
      %parallel_loop3A_323 = arith.constant 816 : i32
      %parallel_loop3A_324 = tpu.memref_slice %arg7[%parallel_loop3A_323] : memref<71296xf32, #tpu.memory_space<vmem>> -> memref<69632xf32, #tpu.memory_space<vmem>>
      tpu.vector_store_idx %parallel_loop3A_324[%parallel_loop3A_240], %parallel_loop3A_322 {add = true} : memref<69632xf32, #tpu.memory_space<vmem>>[vector<16xi32>], vector<16xf32>,
      %parallel_loop3A_325 = arith.mulf %parallel_loop3A_181, %parallel_loop3A_175 : vector<16xf32>
      %parallel_loop3A_326 = arith.constant 816 : i32
      %parallel_loop3A_327 = tpu.memref_slice %arg7[%parallel_loop3A_326] : memref<71296xf32, #tpu.memory_space<vmem>> -> memref<69632xf32, #tpu.memory_space<vmem>>
      tpu.vector_store_idx %parallel_loop3A_327[%parallel_loop3A_243], %parallel_loop3A_325 {add = true} : memref<69632xf32, #tpu.memory_space<vmem>>[vector<16xi32>], vector<16xf32>,
      %parallel_loop3A_328 = arith.mulf %parallel_loop3A_181, %parallel_loop3A_188 : vector<16xf32>
      %parallel_loop3A_329 = arith.constant 816 : i32
      %parallel_loop3A_330 = tpu.memref_slice %arg7[%parallel_loop3A_329] : memref<71296xf32, #tpu.memory_space<vmem>> -> memref<69632xf32, #tpu.memory_space<vmem>>
      tpu.vector_store_idx %parallel_loop3A_330[%parallel_loop3A_246], %parallel_loop3A_328 {add = true} : memref<69632xf32, #tpu.memory_space<vmem>>[vector<16xi32>], vector<16xf32>,
      %parallel_loop3A_331 = arith.mulf %parallel_loop3A_181, %parallel_loop3A_201 : vector<16xf32>
      %parallel_loop3A_332 = arith.constant 816 : i32
      %parallel_loop3A_333 = tpu.memref_slice %arg7[%parallel_loop3A_332] : memref<71296xf32, #tpu.memory_space<vmem>> -> memref<69632xf32, #tpu.memory_space<vmem>>
      tpu.vector_store_idx %parallel_loop3A_333[%parallel_loop3A_249], %parallel_loop3A_331 {add = true} : memref<69632xf32, #tpu.memory_space<vmem>>[vector<16xi32>], vector<16xf32>,
      %parallel_loop3A_334 = arith.mulf %parallel_loop3A_181, %parallel_loop3A_214 : vector<16xf32>
      %parallel_loop3A_335 = arith.constant 816 : i32
      %parallel_loop3A_336 = tpu.memref_slice %arg7[%parallel_loop3A_335] : memref<71296xf32, #tpu.memory_space<vmem>> -> memref<69632xf32, #tpu.memory_space<vmem>>
      tpu.vector_store_idx %parallel_loop3A_336[%parallel_loop3A_252], %parallel_loop3A_334 {add = true} : memref<69632xf32, #tpu.memory_space<vmem>>[vector<16xi32>], vector<16xf32>,
      %parallel_loop3A_337 = arith.mulf %parallel_loop3A_194, %parallel_loop3A_136 : vector<16xf32>
      %parallel_loop3A_338 = arith.constant 1088 : i32
      %parallel_loop3A_339 = tpu.memref_slice %arg7[%parallel_loop3A_338] : memref<71296xf32, #tpu.memory_space<vmem>> -> memref<69632xf32, #tpu.memory_space<vmem>>
      tpu.vector_store_idx %parallel_loop3A_339[%parallel_loop3A_234], %parallel_loop3A_337 {add = true} : memref<69632xf32, #tpu.memory_space<vmem>>[vector<16xi32>], vector<16xf32>,
      %parallel_loop3A_340 = arith.mulf %parallel_loop3A_194, %parallel_loop3A_149 : vector<16xf32>
      %parallel_loop3A_341 = arith.constant 1088 : i32
      %parallel_loop3A_342 = tpu.memref_slice %arg7[%parallel_loop3A_341] : memref<71296xf32, #tpu.memory_space<vmem>> -> memref<69632xf32, #tpu.memory_space<vmem>>
      tpu.vector_store_idx %parallel_loop3A_342[%parallel_loop3A_237], %parallel_loop3A_340 {add = true} : memref<69632xf32, #tpu.memory_space<vmem>>[vector<16xi32>], vector<16xf32>,
      %parallel_loop3A_343 = arith.mulf %parallel_loop3A_194, %parallel_loop3A_162 : vector<16xf32>
      %parallel_loop3A_344 = arith.constant 1088 : i32
      %parallel_loop3A_345 = tpu.memref_slice %arg7[%parallel_loop3A_344] : memref<71296xf32, #tpu.memory_space<vmem>> -> memref<69632xf32, #tpu.memory_space<vmem>>
      tpu.vector_store_idx %parallel_loop3A_345[%parallel_loop3A_240], %parallel_loop3A_343 {add = true} : memref<69632xf32, #tpu.memory_space<vmem>>[vector<16xi32>], vector<16xf32>,
      %parallel_loop3A_346 = arith.mulf %parallel_loop3A_194, %parallel_loop3A_175 : vector<16xf32>
      %parallel_loop3A_347 = arith.constant 1088 : i32
      %parallel_loop3A_348 = tpu.memref_slice %arg7[%parallel_loop3A_347] : memref<71296xf32, #tpu.memory_space<vmem>> -> memref<69632xf32, #tpu.memory_space<vmem>>
      tpu.vector_store_idx %parallel_loop3A_348[%parallel_loop3A_243], %parallel_loop3A_346 {add = true} : memref<69632xf32, #tpu.memory_space<vmem>>[vector<16xi32>], vector<16xf32>,
      %parallel_loop3A_349 = arith.mulf %parallel_loop3A_194, %parallel_loop3A_188 : vector<16xf32>
      %parallel_loop3A_350 = arith.constant 1088 : i32
      %parallel_loop3A_351 = tpu.memref_slice %arg7[%parallel_loop3A_350] : memref<71296xf32, #tpu.memory_space<vmem>> -> memref<69632xf32, #tpu.memory_space<vmem>>
      tpu.vector_store_idx %parallel_loop3A_351[%parallel_loop3A_246], %parallel_loop3A_349 {add = true} : memref<69632xf32, #tpu.memory_space<vmem>>[vector<16xi32>], vector<16xf32>,
      %parallel_loop3A_352 = arith.mulf %parallel_loop3A_194, %parallel_loop3A_201 : vector<16xf32>
      %parallel_loop3A_353 = arith.constant 1088 : i32
      %parallel_loop3A_354 = tpu.memref_slice %arg7[%parallel_loop3A_353] : memref<71296xf32, #tpu.memory_space<vmem>> -> memref<69632xf32, #tpu.memory_space<vmem>>
      tpu.vector_store_idx %parallel_loop3A_354[%parallel_loop3A_249], %parallel_loop3A_352 {add = true} : memref<69632xf32, #tpu.memory_space<vmem>>[vector<16xi32>], vector<16xf32>,
      %parallel_loop3A_355 = arith.mulf %parallel_loop3A_194, %parallel_loop3A_214 : vector<16xf32>
      %parallel_loop3A_356 = arith.constant 1088 : i32
      %parallel_loop3A_357 = tpu.memref_slice %arg7[%parallel_loop3A_356] : memref<71296xf32, #tpu.memory_space<vmem>> -> memref<69632xf32, #tpu.memory_space<vmem>>
      tpu.vector_store_idx %parallel_loop3A_357[%parallel_loop3A_252], %parallel_loop3A_355 {add = true} : memref<69632xf32, #tpu.memory_space<vmem>>[vector<16xi32>], vector<16xf32>,
      %parallel_loop3A_358 = arith.mulf %parallel_loop3A_207, %parallel_loop3A_136 : vector<16xf32>
      %parallel_loop3A_359 = arith.constant 1360 : i32
      %parallel_loop3A_360 = tpu.memref_slice %arg7[%parallel_loop3A_359] : memref<71296xf32, #tpu.memory_space<vmem>> -> memref<69632xf32, #tpu.memory_space<vmem>>
      tpu.vector_store_idx %parallel_loop3A_360[%parallel_loop3A_234], %parallel_loop3A_358 {add = true} : memref<69632xf32, #tpu.memory_space<vmem>>[vector<16xi32>], vector<16xf32>,
      %parallel_loop3A_361 = arith.mulf %parallel_loop3A_207, %parallel_loop3A_149 : vector<16xf32>
      %parallel_loop3A_362 = arith.constant 1360 : i32
      %parallel_loop3A_363 = tpu.memref_slice %arg7[%parallel_loop3A_362] : memref<71296xf32, #tpu.memory_space<vmem>> -> memref<69632xf32, #tpu.memory_space<vmem>>
      tpu.vector_store_idx %parallel_loop3A_363[%parallel_loop3A_237], %parallel_loop3A_361 {add = true} : memref<69632xf32, #tpu.memory_space<vmem>>[vector<16xi32>], vector<16xf32>,
      %parallel_loop3A_364 = arith.mulf %parallel_loop3A_207, %parallel_loop3A_162 : vector<16xf32>
      %parallel_loop3A_365 = arith.constant 1360 : i32
      %parallel_loop3A_366 = tpu.memref_slice %arg7[%parallel_loop3A_365] : memref<71296xf32, #tpu.memory_space<vmem>> -> memref<69632xf32, #tpu.memory_space<vmem>>
      tpu.vector_store_idx %parallel_loop3A_366[%parallel_loop3A_240], %parallel_loop3A_364 {add = true} : memref<69632xf32, #tpu.memory_space<vmem>>[vector<16xi32>], vector<16xf32>,
      %parallel_loop3A_367 = arith.mulf %parallel_loop3A_207, %parallel_loop3A_175 : vector<16xf32>
      %parallel_loop3A_368 = arith.constant 1360 : i32
      %parallel_loop3A_369 = tpu.memref_slice %arg7[%parallel_loop3A_368] : memref<71296xf32, #tpu.memory_space<vmem>> -> memref<69632xf32, #tpu.memory_space<vmem>>
      tpu.vector_store_idx %parallel_loop3A_369[%parallel_loop3A_243], %parallel_loop3A_367 {add = true} : memref<69632xf32, #tpu.memory_space<vmem>>[vector<16xi32>], vector<16xf32>,
      %parallel_loop3A_370 = arith.mulf %parallel_loop3A_207, %parallel_loop3A_188 : vector<16xf32>
      %parallel_loop3A_371 = arith.constant 1360 : i32
      %parallel_loop3A_372 = tpu.memref_slice %arg7[%parallel_loop3A_371] : memref<71296xf32, #tpu.memory_space<vmem>> -> memref<69632xf32, #tpu.memory_space<vmem>>
      tpu.vector_store_idx %parallel_loop3A_372[%parallel_loop3A_246], %parallel_loop3A_370 {add = true} : memref<69632xf32, #tpu.memory_space<vmem>>[vector<16xi32>], vector<16xf32>,
      %parallel_loop3A_373 = arith.mulf %parallel_loop3A_207, %parallel_loop3A_201 : vector<16xf32>
      %parallel_loop3A_374 = arith.constant 1360 : i32
      %parallel_loop3A_375 = tpu.memref_slice %arg7[%parallel_loop3A_374] : memref<71296xf32, #tpu.memory_space<vmem>> -> memref<69632xf32, #tpu.memory_space<vmem>>
      tpu.vector_store_idx %parallel_loop3A_375[%parallel_loop3A_249], %parallel_loop3A_373 {add = true} : memref<69632xf32, #tpu.memory_space<vmem>>[vector<16xi32>], vector<16xf32>,
      %parallel_loop3A_376 = arith.mulf %parallel_loop3A_207, %parallel_loop3A_214 : vector<16xf32>
      %parallel_loop3A_377 = arith.constant 1360 : i32
      %parallel_loop3A_378 = tpu.memref_slice %arg7[%parallel_loop3A_377] : memref<71296xf32, #tpu.memory_space<vmem>> -> memref<69632xf32, #tpu.memory_space<vmem>>
      tpu.vector_store_idx %parallel_loop3A_378[%parallel_loop3A_252], %parallel_loop3A_376 {add = true} : memref<69632xf32, #tpu.memory_space<vmem>>[vector<16xi32>], vector<16xf32>,
      %parallel_loop3A_379 = arith.mulf %parallel_loop3A_220, %parallel_loop3A_136 : vector<16xf32>
      %parallel_loop3A_380 = arith.constant 1632 : i32
      %parallel_loop3A_381 = tpu.memref_slice %arg7[%parallel_loop3A_380] : memref<71296xf32, #tpu.memory_space<vmem>> -> memref<69632xf32, #tpu.memory_space<vmem>>
      tpu.vector_store_idx %parallel_loop3A_381[%parallel_loop3A_234], %parallel_loop3A_379 {add = true} : memref<69632xf32, #tpu.memory_space<vmem>>[vector<16xi32>], vector<16xf32>,
      %parallel_loop3A_382 = arith.mulf %parallel_loop3A_220, %parallel_loop3A_149 : vector<16xf32>
      %parallel_loop3A_383 = arith.constant 1632 : i32
      %parallel_loop3A_384 = tpu.memref_slice %arg7[%parallel_loop3A_383] : memref<71296xf32, #tpu.memory_space<vmem>> -> memref<69632xf32, #tpu.memory_space<vmem>>
      tpu.vector_store_idx %parallel_loop3A_384[%parallel_loop3A_237], %parallel_loop3A_382 {add = true} : memref<69632xf32, #tpu.memory_space<vmem>>[vector<16xi32>], vector<16xf32>,
      %parallel_loop3A_385 = arith.mulf %parallel_loop3A_220, %parallel_loop3A_162 : vector<16xf32>
      %parallel_loop3A_386 = arith.constant 1632 : i32
      %parallel_loop3A_387 = tpu.memref_slice %arg7[%parallel_loop3A_386] : memref<71296xf32, #tpu.memory_space<vmem>> -> memref<69632xf32, #tpu.memory_space<vmem>>
      tpu.vector_store_idx %parallel_loop3A_387[%parallel_loop3A_240], %parallel_loop3A_385 {add = true} : memref<69632xf32, #tpu.memory_space<vmem>>[vector<16xi32>], vector<16xf32>,
      %parallel_loop3A_388 = arith.mulf %parallel_loop3A_220, %parallel_loop3A_175 : vector<16xf32>
      %parallel_loop3A_389 = arith.constant 1632 : i32
      %parallel_loop3A_390 = tpu.memref_slice %arg7[%parallel_loop3A_389] : memref<71296xf32, #tpu.memory_space<vmem>> -> memref<69632xf32, #tpu.memory_space<vmem>>
      tpu.vector_store_idx %parallel_loop3A_390[%parallel_loop3A_243], %parallel_loop3A_388 {add = true} : memref<69632xf32, #tpu.memory_space<vmem>>[vector<16xi32>], vector<16xf32>,
      %parallel_loop3A_391 = arith.mulf %parallel_loop3A_220, %parallel_loop3A_188 : vector<16xf32>
      %parallel_loop3A_392 = arith.constant 1632 : i32
      %parallel_loop3A_393 = tpu.memref_slice %arg7[%parallel_loop3A_392] : memref<71296xf32, #tpu.memory_space<vmem>> -> memref<69632xf32, #tpu.memory_space<vmem>>
      tpu.vector_store_idx %parallel_loop3A_393[%parallel_loop3A_246], %parallel_loop3A_391 {add = true} : memref<69632xf32, #tpu.memory_space<vmem>>[vector<16xi32>], vector<16xf32>,
      %parallel_loop3A_394 = arith.mulf %parallel_loop3A_220, %parallel_loop3A_201 : vector<16xf32>
      %parallel_loop3A_395 = arith.constant 1632 : i32
      %parallel_loop3A_396 = tpu.memref_slice %arg7[%parallel_loop3A_395] : memref<71296xf32, #tpu.memory_space<vmem>> -> memref<69632xf32, #tpu.memory_space<vmem>>
      tpu.vector_store_idx %parallel_loop3A_396[%parallel_loop3A_249], %parallel_loop3A_394 {add = true} : memref<69632xf32, #tpu.memory_space<vmem>>[vector<16xi32>], vector<16xf32>,
      %parallel_loop3A_397 = arith.mulf %parallel_loop3A_220, %parallel_loop3A_214 : vector<16xf32>
      %parallel_loop3A_398 = arith.constant 1632 : i32
      %parallel_loop3A_399 = tpu.memref_slice %arg7[%parallel_loop3A_398] : memref<71296xf32, #tpu.memory_space<vmem>> -> memref<69632xf32, #tpu.memory_space<vmem>>
      tpu.vector_store_idx %parallel_loop3A_399[%parallel_loop3A_252], %parallel_loop3A_397 {add = true} : memref<69632xf32, #tpu.memory_space<vmem>>[vector<16xi32>], vector<16xf32>,
    } {sc.loop_unroll_factor = 2 : i64, sc.parallel_access}
    %scan3A = arith.constant 0 : i32
    %scan3A_84 = arith.constant 0 : i32
    %scan3A_85 = arith.constant 256 : i32
    %scan3A_86 = arith.addi %scan3A_84, %scan3A_85 : i32
    %scan3A_87 = arith.constant 1 : i32
    scf.for %scan3A_95 = %scan3A_84 to %scan3A_86 step %scan3A_87  : i32 {
      %add3A_96 = arith.constant 3 : i32
      %add3A_97 = arith.addi %scan3A_95, %add3A_96 : i32
      %mul3A_98 = arith.constant 272 : i32
      %mul3A_99 = arith.muli %add3A_97, %mul3A_98 : i32
      %add3A_100 = arith.constant 8 : i32
      %add3A_101 = arith.addi %mul3A_99, %add3A_100 : i32
      %dma_start3A_102 = tpu.memref_slice %arg7[%add3A_101] : memref<71296xf32, #tpu.memory_space<vmem>> -> memref<256xf32, #tpu.memory_space<vmem>>
      %dma_start3A_103 = arith.constant 0 : i32
      %dma_start3A_104 = tpu.memref_slice %arg6[%select_n3A, %select_n3A_30, %scan3A_95, %dma_start3A_103] : memref<8x4x256x256xf32, #tpu.memory_space<hbm>> -> memref<1x1x1x256xf32, #tpu.memory_space<hbm>>
      %dma_start3A_105 = tpu.memref_squeeze %dma_start3A_104 : memref<1x1x1x256xf32, #tpu.memory_space<hbm>> -> memref<256xf32, #tpu.memory_space<hbm>>
      %dma_start3A_106 = arith.constant 0 : i32
      %dma_start3A_107 = tpu.memref_slice %arg6[%select_n3A, %select_n3A_30, %scan3A_95, %dma_start3A_106] : memref<8x4x256x256xf32, #tpu.memory_space<hbm>> -> memref<1x1x1x256xf32, #tpu.memory_space<hbm>>
      %dma_start3A_108 = tpu.memref_squeeze %dma_start3A_107 : memref<1x1x1x256xf32, #tpu.memory_space<hbm>> -> memref<256xf32, #tpu.memory_space<hbm>>
      %dma_start3A_109 = tpu.memref_slice %arg7[%add3A_101] : memref<71296xf32, #tpu.memory_space<vmem>> -> memref<256xf32, #tpu.memory_space<vmem>>
      tpu.enqueue_dma source(%dma_start3A_109 : memref<256xf32, #tpu.memory_space<vmem>>) target(%dma_start3A_108 : memref<256xf32, #tpu.memory_space<hbm>>) target_semaphore(%arg12 : memref<!tpu.dma_semaphore, #tpu.memory_space<semaphore_mem>>)
    }
    %scan3A_88 = arith.constant 256 : i32
    %scan3A_89 = arith.constant 0 : i32
    %scan3A_90 = arith.constant 0 : i32
    %scan3A_91 = arith.constant 256 : i32
    %scan3A_92 = arith.addi %scan3A_90, %scan3A_91 : i32
    %scan3A_93 = arith.constant 1 : i32
    scf.for %scan3A_95 = %scan3A_90 to %scan3A_92 step %scan3A_93  : i32 {
      %add3A_96 = arith.constant 3 : i32
      %add3A_97 = arith.addi %scan3A_95, %add3A_96 : i32
      %mul3A_98 = arith.constant 272 : i32
      %mul3A_99 = arith.muli %add3A_97, %mul3A_98 : i32
      %add3A_100 = arith.constant 8 : i32
      %add3A_101 = arith.addi %mul3A_99, %add3A_100 : i32
      %dma_wait3A_102 = tpu.memref_slice %arg7[%add3A_101] : memref<71296xf32, #tpu.memory_space<vmem>> -> memref<256xf32, #tpu.memory_space<vmem>>
      %dma_wait3A_103 = arith.constant 0 : i32
      %dma_wait3A_104 = tpu.memref_slice %arg6[%select_n3A, %select_n3A_30, %scan3A_95, %dma_wait3A_103] : memref<8x4x256x256xf32, #tpu.memory_space<hbm>> -> memref<1x1x1x256xf32, #tpu.memory_space<hbm>>
      %dma_wait3A_105 = tpu.memref_squeeze %dma_wait3A_104 : memref<1x1x1x256xf32, #tpu.memory_space<hbm>> -> memref<256xf32, #tpu.memory_space<hbm>>
      %dma_wait3A_106 = arith.constant 0 : i32
      %dma_wait3A_107 = tpu.memref_slice %arg6[%select_n3A, %select_n3A_30, %scan3A_95, %dma_wait3A_106] : memref<8x4x256x256xf32, #tpu.memory_space<hbm>> -> memref<1x1x1x256xf32, #tpu.memory_space<hbm>>
      %dma_wait3A_108 = tpu.memref_squeeze %dma_wait3A_107 : memref<1x1x1x256xf32, #tpu.memory_space<hbm>> -> memref<256xf32, #tpu.memory_space<hbm>>
      %dma_wait3A_109 = tpu.memref_slice %arg7[%add3A_101] : memref<71296xf32, #tpu.memory_space<vmem>> -> memref<256xf32, #tpu.memory_space<vmem>>
      tpu.wait_dma2 semaphore(%arg12 : memref<!tpu.dma_semaphore, #tpu.memory_space<semaphore_mem>>) src(%dma_wait3A_109 : memref<256xf32, #tpu.memory_space<vmem>>) dst(%dma_wait3A_108 : memref<256xf32, #tpu.memory_space<hbm>>)
    }
    %scan3A_94 = arith.constant 256 : i32
    return
  }
}

</mosaic_0001>

<sc_bundles>
// kernel: kernel.3.cloned.1.call-start
scs
__scs_entry_jumppad:
0x0: {  	(pc) =	sbr.rel $0x88, $3  }
0x1: {  	(tag) =	ssettag $0x0;
	lr =	simm.s32 $0x1  }
0x2: {  	[smem:$0x3F9E] =	sst lr;
	_ =	strace $0xD0000000  }
0x3: {  	_ = 	snop  }
0x4: {  	_ = 	snop  }
0x5: {  	_ = 	snop  }
0x6: {  	_ = 	snop  }
0x7: {  	_ = 	snop  }
__scs_overlays_trampoline_lowered:
0x8: {  	[smem:$0x3FAD] =	sst s0  }
0x9: {  	[smem:$0x3FAE] =	sst s1  }
0xa: {  	[smem:$0x3FAF] =	sst s2  }
0xb: {  	[smem:$0x3FB0] =	sst s3  }
0xc: {  	[smem:$0x3FB1] =	sst s4  }
0xd: {  	[smem:$0x3FB2] =	sst s5  }
0xe: {  	[smem:$0x3FB3] =	sst s6  }
0xf: {  	[smem:$0x3FB4] =	sst s7  }
0x10: {  	[smem:$0x3FB5] =	sst s8  }
0x11: {  	[smem:$0x3FB6] =	sst s9;
	s0 =	simm.s32 @!p0 $0x0  }
0x12: {  	s1 =	sld [smem:$0x3F9C];
	s0 =	simm.s32 @p0 $0x1  }
0x13: {  	[smem:$0x3FB7] =	sst s0;
	s0 =	simm.s32 @!p1 $0x0  }
0x14: {  	s2 =	sld [smem:$0x3F9B];
	s0 =	simm.s32 @p1 $0x1  }
0x15: {  	[smem:$0x3FB8] =	sst s0;
	s0 =	simm.s32 @!p2 $0x0  }
0x16: {  	s3 =	sld [smem:$0x3FDB];
	s0 =	simm.s32 @p2 $0x1  }
0x17: {  	s4 =	simm.s32 $0x1BF5;
	[smem:$0x3FBA] =	sst s0  }
0x18: {  	s0 =	sld [smem:$0x3F9D];
	_ =	swait.ge [sflag:s4], $0x0  }
0x19: {  	s7 =	sld [smem:$0x3F9E]  }
0x1a: {  	s8 =	sadd.s32 $0xFFFFE003, lr  }
0x1b: {  	s9 =	sadd.s32 $0xFFFFFEF7, lr;
	s5 =	simm.s32 $0xFFFFFFFF;
	p2 =	slt.u32 s8, $0xFFFFF086  }
0x1c: {  	p1 =	slt.u32 s9, $0xF7A;
	s5 =	simm.s32 @!p2 $0x0  }
0x1d: {  	s5 =	simm.s32 @p1 $0x1;
	p0 =	seq.s32 s7, s2  }
0x1e: {  	s7 =	smul.u32 @!p0 $0xF7A, s2;
	p2 =	seq.s32 @!p0 s5, $0x0  }
0x1f: {  	s9 =	smul.u32 $0xF7A, s1;
	s8 =	simm.s32 @!p0 $0x1BF5;
	p2 =	por !p2, p0  }
0x20: {  	[sflag:s8] =	ssyncset.s32 @!p0 $0xFFFFF086;
	s6 =	sadd.s32 @!p0 s3, s7;
	s7 =	simm.s32 @!p0 $0x108  }
0x21: {  	s3 =	sadd.s32 s3, s9;
	s6 =	sadd.s32 @!p0 $0x88, s6;
	s7 =	simm.s32 @p2 $0x1082  }
0x22: {  	[simem:s7], [sflag:s8] =	dma.local @!p0 [hbm:s6], $0xF7A  }
0x23: {  	s9 =	sor.u32 $0xD0000000, s2;
	s6 =	simm.s32 $0x108;
	_ =	swait.ge @!p0 [sflag:s8], $0x0  }
0x24: {  	s3 =	sadd.s32 $0x88, s3;
	s6 =	simm.s32 @!p1 $0x1082;
	[sflag:s4] =	ssyncset.s32 $0xFFFFF086  }
0x25: {  	[simem:s6], [sflag:s4] =	dma.local [hbm:s3], $0xF7A  }
0x26: {  	[smem:$0x3F9E] =	sst s1;
	(tag) =	ssettag s2;
	_ =	strace s9  }
0x27: {  	s1 =	sld [smem:$0x3FAE]  }
0x28: {  	s2 =	sld [smem:$0x3FAF]  }
0x29: {  	s4 =	sld [smem:$0x3FB1]  }
0x2a: {  	p0 =	seq.s32 s5, $0x0;
	s5 =	sld [smem:$0x3FB2]  }
0x2b: {  	s6 =	sld [smem:$0x3FB3]  }
0x2c: {  	s7 =	sld [smem:$0x3FB4]  }
0x2d: {  	s3 =	simm.s32 $0x108;
	s8 =	sld [smem:$0x3FB5]  }
0x2e: {  	s3 =	simm.s32 @!p0 $0x1082;
	s9 =	sld [smem:$0x3FB6]  }
0x2f: {  	lr =	sadd.s32 s0, s3;
	s0 =	sld [smem:$0x3FAD]  }
0x30: {  	s3 =	sld [smem:$0x3FB0]  }
0x31: {  	[smem:$0x3FB9] =	sst s10  }
0x32: {  	s10 =	sld [smem:$0x3FB7];
	_ =	sdelay $0x3  }
0x33: {  	p0 =	seq.s32 s10, $0x1;
	s10 =	sld [smem:$0x3FB9];
	_ =	sdelay $0x3  }
0x34: {  	[smem:$0x3FB9] =	sst s10  }
0x35: {  	s10 =	sld [smem:$0x3FB8];
	_ =	sdelay $0x3  }
0x36: {  	p1 =	seq.s32 s10, $0x1;
	s10 =	sld [smem:$0x3FB9];
	_ =	sdelay $0x3  }
0x37: {  	[smem:$0x3FB9] =	sst s10  }
0x38: {  	s10 =	sld [smem:$0x3FBA]  }
0x39: {  	_ = 	snop;
	(pc) =	sbr.ind lr, $3  }
0x3a: {  	_ = 	snop  }
0x3b: {  	_ = 	snop  }
0x3c: {  	p2 =	seq.s32 s10, $0x1;
	s10 =	sld [smem:$0x3FB9]  }
0x3d: {  	_ =	shalt  }
0x3e: {  	_ =	shalt  }
0x3f: {  	_ =	shalt  }
0x40: {  	_ =	shalt  }
0x41: {  	_ =	shalt  }
0x42: {  	_ =	shalt  }
0x43: {  	_ =	shalt  }
0x44: {  	_ =	shalt  }
0x45: {  	_ =	shalt  }
0x46: {  	_ =	shalt  }
0x47: {  	_ =	shalt  }
0x48: {  	_ =	shalt  }
0x49: {  	_ =	shalt  }
0x4a: {  	_ =	shalt  }
0x4b: {  	_ =	shalt  }
0x4c: {  	_ =	shalt  }
0x4d: {  	_ =	shalt  }
0x4e: {  	_ =	shalt  }
0x4f: {  	_ =	shalt  }
0x50: {  	_ =	shalt  }
0x51: {  	_ =	shalt  }
0x52: {  	_ =	shalt  }
0x53: {  	_ =	shalt  }
0x54: {  	_ =	shalt  }
0x55: {  	_ =	shalt  }
0x56: {  	_ =	shalt  }
0x57: {  	_ =	shalt  }
0x58: {  	_ =	shalt  }
0x59: {  	_ =	shalt  }
0x5a: {  	_ =	shalt  }
0x5b: {  	_ =	shalt  }
0x5c: {  	_ =	shalt  }
0x5d: {  	_ =	shalt  }
0x5e: {  	_ =	shalt  }
0x5f: {  	_ =	shalt  }
0x60: {  	_ =	shalt  }
0x61: {  	_ =	shalt  }
0x62: {  	_ =	shalt  }
0x63: {  	_ =	shalt  }
0x64: {  	_ =	shalt  }
0x65: {  	_ =	shalt  }
0x66: {  	_ =	shalt  }
0x67: {  	_ =	shalt  }
0x68: {  	_ =	shalt  }
0x69: {  	_ =	shalt  }
0x6a: {  	_ =	shalt  }
0x6b: {  	_ =	shalt  }
0x6c: {  	_ =	shalt  }
0x6d: {  	_ =	shalt  }
0x6e: {  	_ =	shalt  }
0x6f: {  	_ =	shalt  }
0x70: {  	_ =	shalt  }
0x71: {  	_ =	shalt  }
0x72: {  	_ =	shalt  }
0x73: {  	_ =	shalt  }
0x74: {  	_ =	shalt  }
0x75: {  	_ =	shalt  }
0x76: {  	_ =	shalt  }
0x77: {  	_ =	shalt  }
0x78: {  	_ =	shalt  }
0x79: {  	_ =	shalt  }
0x7a: {  	_ =	shalt  }
0x7b: {  	_ =	shalt  }
0x7c: {  	_ =	shalt  }
0x7d: {  	_ =	shalt  }
0x7e: {  	_ =	shalt  }
0x7f: {  	_ =	shalt  }
0x80: {  	_ =	shalt  }
0x81: {  	_ =	shalt  }
0x82: {  	_ =	shalt  }
0x83: {  	_ =	shalt  }
0x84: {  	_ =	shalt  }
0x85: {  	_ =	shalt  }
0x86: {  	_ =	shalt  }
0x87: {  	_ =	shalt  }
.Lfunc_end0:
.L_simem_size_0:
called_computation_lowered:
.L_overlay_start_0:
0x88: {  	s2 =	sld [smem:$0x3FD9]  }
0x89: {  	s3 =	sld [smem:$0x3FFE];
	_ =	sdelay $0x1  }
0x8a: {  	s1 =	srdreg.scid  }
0x8b: {  	s0 =	sand.u32 $0x1, s1  }
0x8c: {  	s17 =	sshll.u32 s0, $0xA;
	s2 =	sadd.s32 s3, s2  }
0x8d: {  	s2 =	sadd.s32 s2, s17  }
0x8e: {  	[smem:$0x3FC5] =	sst s2  }
0x8f: {  	_ = 	snop  }
0x90: {  	s2 =	sld [smem:$0x3FD0];
	(tm) =	ssettm $0x1  }
0x91: {  	s18 =	sld [smem:$0x3FFB];
	_ =	sdelay $0x3  }
0x92: {  	_ =	strace s18  }
0x93: {  	s3 =	sld [smem:$0x3FFC];
	_ =	sdelay $0x3  }
0x94: {  	_ =	strace s3  }
0x95: {  	s3 =	sld [smem:$0x3FFD];
	_ =	sdelay $0x3  }
0x96: {  	_ =	strace s3  }
0x97: {  	_ =	strace $0x8FFFFFFF  }
0x98: {  	s19 =	sld [smem:$0x3FDB];
	_ =	sdelay $0x1  }
0x99: {  	s4 =	simm.s32 $_scs_section_size  }
0x9a: {  	s5 =	simm.s32 $_size__tile_overlayer_lowered;
	s6 =	simm.s32 $_tile_overlayer_lowered  }
0x9b: {  	s22 =	simm.s32 $0x1BFF;
	s21 =	sshll.u32 s6, $0x1;
	s3 =	sadd.s32 s4, s19  }
0x9c: {  	s7 =	simm.s32 $0x0;
	s20 =	sshll.u32 s5, $0x1;
	s5 =	sadd.s32 s21, s3  }
0x9d: {  	[timem:s7], [sflag:s22] =	dma.local [hbm:s5], s20  }
0x9e: {  	_ =	swait.ge [sflag:s22], s20  }
0x9f: {  	s4 =	ssub.s32 $0x0, s20;
	[sflag:s22] =	ssyncset.done $0x0  }
0xa0: {  	[sflag:s22] =	ssyncadd.s32 s4;
	_ =	sdelay $0x1  }
0xa1: {  	s23 =	simm.s32 $0x1B8B  }
0xa2: {  	_ =	swait.ge [sflag:s23], $0x1  }
0xa3: {  	[sflag:s23] =	ssyncset.done $0x0  }
0xa4: {  	s25 =	simm.s32 $0x1B8E;
	s24 =	sld [smem:$0x3FFE];
	[sflag:s23] =	ssyncadd.s32 $0xFFFFFFFF  }
0xa5: {  	s26 =	simm.s32 $execute0_lowered;
	[smem:$0x3FD2] =	sst s25  }
0xa6: {  	s5 =	sshll.u32 s26, $0x1;
	_ =	strace $0x80000046;
	[dreg:$0x1] =	wrdreg $0xFFFFFFFF  }
0xa7: {  	s28 =	simm.s32 $_size_execute0_lowered;
	s3 =	sadd.s32 s3, s5;
	[dreg:$0x0] =	wrdreg $0x0  }
0xa8: {  	s5 =	sshll.u32 s28, $0x1;
	[dreg:$0x2] =	wrdreg s3  }
0xa9: {  	[dreg:$0x3] =	wrdreg s5  }
0xaa: {  	[dreg:$0x4] =	wrdreg $0xC0  }
0xab: {  	_ =	task [dreg:s7], $0x5FFFF  }
0xac: {  	[dreg:$0x1] =	wrdreg $0xFFFFFFFF  }
0xad: {  	[dreg:$0x0] =	wrdreg $0x60  }
0xae: {  	[dreg:$0x2] =	wrdreg s24  }
0xaf: {  	[dreg:$0x3] =	wrdreg s2  }
0xb0: {  	[dreg:$0x4] =	wrdreg $0x9  }
0xb1: {  	_ =	task.clear_ibuf [dreg:s7], $0x5FFFF;
	_ =	strace $0x90000046  }
0xb2: {  	s29 =	simm.s32 $0x9;
	_ =	strace $0x80000048  }
0xb3: {  	_ =	swait.ge [sflag:s29], $0x1  }
0xb4: {  	[sflag:s29] =	ssyncadd.s32 $0xFFFFFFFF  }
0xb5: {  	_ =	strace $0x90000048  }
0xb6: {  	_ =	sfence  }
0xb7: {  	s30 =	sld [smem:$0x0];
	_ =	sdelay $0x2  }
0xb8: {  	s31 =	sshll.u32 s1, $0xD;
	s1 =	sshrl.u32 s1, $0x2  }
0xb9: {  	s3 =	sand.u32 $0x4000, s31;
	s1 =	sadd.s32 s1, s30  }
0xba: {  	s0 =	sor.u32 s3, s0;
	s1 =	sshll.u32 s1, $0x11  }
0xbb: {  	s0 =	sor.u32 s1, s0  }
0xbc: {  	s0 =	sadd.s32 $0x8F2B, s0  }
0xbd: {  	[sflag:s0] =	ssyncadd.remote.s32 $0x1  }
0xbe: {  	_ =	sfence.sel $0xFFFF  }
0xbf: {  	[dreg:$0x0] =	wrdreg $0xFFFFFFFF;
	(pc) =	sbr.abs _section_cstart, $3  }
0xc0: {  	[dreg:$0x1] =	wrdreg $0xFFFFFFFF  }
0xc1: {  	_ =	task.clear_ibuf [dreg:s7], $0x2FFFF;
	_ =	strace $0x9FFFFFFF  }
0xc2: {  	(tm) =	ssettm $0x7FFFFFFF  }
0xc3: {  	_ =	shalt  }
tec
execute0_lowered:
.L_overlay_start_1:
0x0: {  	(tag) =	ssettag $0x1  }
0x1: {  	s3 =	rddreg [dreg:$0x0]  }
0x2: {  	s5 =	rddreg [dreg:$0x1]  }
0x3: {  	s0 =	rddreg [dreg:$0x2];
	s2 =	simm.s32 $0x0  }
0x4: {  	s1 =	stileid.u32;
	s7 =	srdreg.scid;
	s13 =	simm.s32 $0x2  }
0x5: {  	s14 =	simm.s32 $0x110;
	s15 =	simm.s32 $0x220;
	s16 =	simm.s32 $0x330  }
0x6: {  	s17 =	simm.s32 $0x440;
	s18 =	simm.s32 $0x550;
	s19 =	simm.s32 $0x660  }
0x7: {  	s20 =	simm.s32 $0x1;
	s21 =	simm.s32 $0x0;
	[smem:$0x7FF] =	sst s2  }
0x8: {  	s6 =	sshrl.u32 s1, $0x1;
	s8 =	sand.u32 $0xE, s1;
	s7 =	sand.u32 $0x1, s7  }
0x9: {  	s10 =	sshll.u32 s1, $0x1;
	s30 =	sand.u32 $0x1, s1;
	_ =	strace $0x80000047  }
0xa: {  	s4 =	sshll.u32 s6, $0xB;
	s8 =	sadd.s32 s8, s3;
	s9 =	ssub.s32 $0x2, s7  }
0xb: {  	s11 =	sshll.u32 s6, $0xF;
	s10 =	sand.u32 $0x2, s10;
	s6 =	sshll.u32 s6, $0xD  }
0xc: {  	s4 =	sadd.s32 s4, s3;
	s12 =	sshrl.u32 s9, $0x1;
	s11 =	sadd.s32 s11, s3  }
0xd: {  	s10 =	sor.u32 s7, s10;
	s5 =	sadd.s32 s5, s6;
	s7 =	sshll.u32 s7, $0xD  }
0xe: {  	s6 =	sadd.s32 $0x800, s8;
	s9 =	ssub.s32 s9, s12;
	s3 =	sadd.s32 $0x4A00, s4  }
0xf: {  	s4 =	sadd.s32 $0xA00, s4;
	s10 =	sshll.u32 s10, $0xB;
	s12 =	sshll.u32 s30, $0xE  }
0x10: {  	s11 =	sadd.s32 s12, s11;
	s5 =	sadd.s32 s10, s5;
	s10 =	simm.s32 $0x15680  }
0x11: {  	s12 =	simm.s32 $0x1D680;
	s31 =	sadd.s32 s7, s11;
	s7 =	smax.u32 s9, $0x1  }
0x12: {  	v0 =	vimm.f32 $0.0e+00;
	v9 =	vimm.s32 $0x0;
	s9 =	simm.s32 $0x11680;
	s11 =	simm.s32 $0x19680;
	s8 =	sadd.s32 $0x8A00, s31  }
.LBB2_1:
0x13: {  	[tilespmem:s9], [sflag:$0x2] =	stream.linear.gather [hbm4b:s3+s2], $0x4000, $0x38;
	[tilespmem:$0x1D690] =	vst v63  }
0x14: {  	_ = 	snop  }
0x15: {  	[tilespmem:s10], [sflag:$0x2] =	stream.linear.gather [hbm4b:s4+s2], $0x4000, $0x38;
	[tilespmem:$0x1D690] =	vst v63  }
0x16: {  	_ = 	snop  }
0x17: {  	[tilespmem:s11], [sflag:$0x2] =	stream.linear.gather [hbm4b:s5+s2], $0x4000, $0x38;
	[tilespmem:$0x1D690] =	vst v63  }
0x18: {  	s22 =	simm.s32 $0x40  }
0x19: {  	[tilespmem:s12], [sflag:$0x2] =	stream.linear.gather [hbm4b:s6+s2], $0x10, $0x38;
	[tilespmem:$0x1D690] =	vst v63  }
0x1a: {  	[tilespmem:s22+$0xFFFFFFC0] =	vst v0  }
0x1b: {  	[tilespmem:s22+$0x30] =	vst v0  }
0x1c: {  	[tilespmem:s22+$0x20] =	vst v0  }
0x1d: {  	[tilespmem:s22+$0x10] =	vst v0  }
0x1e: {  	[tilespmem:s22+$0x0] =	vst v0  }
0x1f: {  	[tilespmem:s22+$0xFFFFFFF0] =	vst v0  }
0x20: {  	s23 =	simm.s32 $0x0;
	[tilespmem:s22+$0xFFFFFFE0] =	vst v0  }
.LBB2_2:
0x21: {  	s23 =	sadd.s32 $0x80, s23;
	[tilespmem:s22+$0xFFFFFFD0] =	vst v0;
	s22 =	sadd.s32 $0x80, s22  }
0x22: {  	[tilespmem:s22+$0xFFFFFFC0] =	vst v0;
	p0 =	slt.u32 s23, $0x11600  }
0x23: {  	[tilespmem:s22+$0x30] =	vst v0  }
.Ltmp0:
0x24: {  	[tilespmem:s22+$0x20] =	vst v0;
	(pc) =	sbr.rel @p0 .LBB2_2-.Ltmp0, $4  }
0x25: {  	[tilespmem:s22+$0x10] =	vst v0  }
0x26: {  	[tilespmem:s22+$0x0] =	vst v0  }
0x27: {  	[tilespmem:s22+$0xFFFFFFF0] =	vst v0  }
0x28: {  	[tilespmem:s22+$0xFFFFFFE0] =	vst v0  }
0x29: {  	[tilespmem:s22+$0xFFFFFFD0] =	vst v0  }
0x2a: {  	_ =	swait.ge [sflag:s13], $0x4000  }
0x2b: {  	[sflag:s13] =	ssyncset.done $0x0  }
0x2c: {  	[sflag:s13] =	ssyncadd.s32 $0xFFFFC000  }
0x2d: {  	_ =	swait.ge [sflag:s13], $0x4000  }
0x2e: {  	[sflag:s13] =	ssyncset.done $0x0  }
0x2f: {  	[sflag:s13] =	ssyncadd.s32 $0xFFFFC000  }
0x30: {  	_ =	swait.ge [sflag:s13], $0x4000  }
0x31: {  	[sflag:s13] =	ssyncset.done $0x0  }
0x32: {  	[sflag:s13] =	ssyncadd.s32 $0xFFFFC000  }
0x33: {  	_ =	swait.ge [sflag:s13], $0x10  }
0x34: {  	[sflag:s13] =	ssyncset.done $0x0  }
0x35: {  	s30 =	simm.s32 $0x15690;
	[sflag:s13] =	ssyncadd.s32 $0xFFFFFFF0  }
0x36: {  	s23 =	simm.s32 $0x11690;
	v0 =	vld [tilespmem:s30+$0x0]  }
0x37: {  	v3 =	vld [tilespmem:s23+$0x0];
	_ =	sdelay $0x3  }
0x38: {  	v1 =	vadd.f32 $5.000000000e-01, v0  }
0x39: {  	v7 =	vld [tilespmem:s23+$0xFFFFFFF0];
	v2 =	vadd.f32 $5.000000000e-01, v3  }
0x3a: {  	v5 =	vld [tilespmem:s30+$0xFFFFFFF0];
	v4 =	vtrunc.f32 v1  }
0x3b: {  	v6 =	vtrunc.f32 v2;
	v8 =	vcvt.f32.s32 v4;
	vm0 =	vlt.f32 v1, v4  }
0x3c: {  	v1 =	vcvt.f32.s32 v6;
	vm1 =	vlt.f32 v2, v6;
	v2 =	vsel vm0, $0xFFFFFFFF, v9  }
0x3d: {  	v4 =	vsel vm1, $0xFFFFFFFF, v9;
	v6 =	vadd.s32 v8, v2  }
0x3e: {  	v40 =	vadd.s32 v1, v4;
	v2 =	vcvt.s32.f32 v6  }
0x3f: {  	v10 =	vadd.f32 $5.000000000e-01, v5;
	v4 =	vadd.f32 $5.000000000e-01, v7;
	v8 =	vcvt.s32.f32 v40  }
0x40: {  	v0 =	vsub.f32 v2, v0  }
0x41: {  	v12 =	vtrunc.f32 v10;
	v9 =	vtrunc.f32 v4;
	v3 =	vsub.f32 v8, v3  }
0x42: {  	v8 =	vcvt.f32.s32 v9;
	v11 =	vadd.f32 $-3.000000000e+00, v0;
	v13 =	vadd.f32 $-2.000000000e+00, v0  }
0x43: {  	v2 =	vld [tilespmem:$0x1D680];
	v14 =	vadd.f32 $-3.000000000e+00, v3;
	v15 =	vmul.f32 v3, v3;
	v16 =	vadd.f32 $-2.000000000e+00, v3  }
0x44: {  	v17 =	vadd.f32 $-1.000000000e+00, v3;
	v18 =	vadd.f32 $1.000000000e+00, v3;
	v11 =	vmul.f32 v11, v11  }
0x45: {  	v19 =	vadd.f32 $2.000000000e+00, v3;
	v13 =	vmul.f32 v13, v13;
	v14 =	vmul.f32 v14, v14  }
0x46: {  	v3 =	vadd.f32 $3.000000000e+00, v3;
	v16 =	vmul.f32 v16, v16;
	v17 =	vmul.f32 v17, v17  }
0x47: {  	v18 =	vmul.f32 v18, v18;
	v19 =	vmul.f32 v19, v19  }
0x48: {  	v3 =	vmul.f32 v3, v3;
	v15 =	vmul.f32 v15, v2  }
0x49: {  	v11 =	vmul.f32 v11, v2;
	v14 =	vmul.f32 v14, v2  }
0x4a: {  	v16 =	vmul.f32 v16, v2;
	v17 =	vmul.f32 v17, v2  }
0x4b: {  	v18 =	vmul.f32 v18, v2;
	v19 =	vmul.f32 v19, v2  }
0x4c: {  	v3 =	vmul.f32 v3, v2;
	v11 =	vmul.f32 $1.442695020e+00, v11  }
0x4d: {  	vm10 =	vlt.f32 v4, v9;
	v4 =	vmul.f32 v13, v2;
	v14 =	vmul.f32 $1.442695020e+00, v14  }
0x4e: {  	v16 =	vmul.f32 $1.442695020e+00, v16;
	(erf) = vpow2.f32 v11  }
0x4f: {  	v11 =	vmul.f32 $1.442695020e+00, v17;
	(erf) = vpow2.f32 v14  }
0x50: {  	v15 =	vmul.f32 $1.442695020e+00, v15;
	(erf) = vpow2.f32 v16  }
0x51: {  	v14 =	vmul.f32 $1.442695020e+00, v18;
	(erf) = vpow2.f32 v11  }
0x52: {  	vm11 =	vlt.f32 v10, v12;
	v11 =	vmul.f32 $1.442695020e+00, v19;
	(erf) = vpow2.f32 v15  }
0x53: {  	v3 =	vmul.f32 $1.442695020e+00, v3;
	v15 =	vadd.f32 $-1.000000000e+00, v0;
	(erf) = vpow2.f32 v14  }
0x54: {  	s31 =	simm.s32 $0x19690;
	v1 =	vimm.s32 $0x0;
	v10 =	vmul.f32 $1.442695020e+00, v4;
	(erf) = vpow2.f32 v11  }
0x55: {  	v9 =	vsel vm10, $0xFFFFFFFF, v1;
	v14 =	vld [tilespmem:s31+$0x0];
	v11 =	vcvt.f32.s32 v12;
	v13 =	vmul.f32 v15, v15  }
0x56: {  	v4 =	vsel vm11, $0xFFFFFFFF, v1;
	(erf) = vpow2.f32 v3;
	v3 =	vadd.s32 v8, v9  }
0x57: {  	v8 =	vmul.f32 v13, v2;
	v1 =	vadd.s32 v11, v4;
	v11 =	vcvt.s32.f32 v3  }
0x58: {  	v9 =	vpop (erf)  }
0x59: {  	v12 =	vpop (erf);
	(erf) = vpow2.f32 v10;
	v8 =	vmul.f32 $1.442695020e+00, v8;
	v7 =	vsub.f32 v11, v7  }
0x5a: {  	v10 =	vcvt.s32.f32 v1;
	v13 =	vpop (erf);
	v12 =	vmul.f32 v12, v14  }
0x5b: {  	v32 =	vmul.f32 v13, v14;
	v13 =	vpop (erf);
	(erf) = vpow2.f32 v8;
	v17 =	vadd.f32 $-1.000000000e+00, v7  }
0x5c: {  	v20 =	vadd.f32 $1.000000000e+00, v7;
	v62 =	vmul.f32 v7, v7;
	v38 =	vmul.f32 v13, v14  }
0x5d: {  	v22 =	vadd.f32 $2.000000000e+00, v7;
	v44 =	vmul.f32 v12, v9;
	v13 =	vmul.f32 v0, v0  }
0x5e: {  	v45 =	vmul.f32 v32, v9;
	v17 =	vmul.f32 v17, v17  }
0x5f: {  	v8 =	vpop (erf);
	v39 =	vmul.f32 v20, v20;
	v20 =	vadd.f32 $2.000000000e+00, v0;
	v60 =	vmul.f32 v22, v22  }
0x60: {  	v41 =	vmul.f32 v8, v14;
	v8 =	vpop (erf);
	v58 =	vmul.f32 v38, v9  }
0x61: {  	v46 =	vmul.f32 v8, v14;
	v8 =	vpop (erf);
	v20 =	vmul.f32 v20, v20  }
0x62: {  	v47 =	vmul.f32 v8, v14;
	v56 =	vmul.f32 v9, v41;
	v8 =	vpop (erf)  }
0x63: {  	v48 =	vmul.f32 v8, v14;
	v59 =	vmul.f32 v46, v9  }
0x64: {  	v8 =	vmul.f32 v13, v2;
	v57 =	vmul.f32 v47, v9;
	v11 =	vpop (erf)  }
0x65: {  	v13 =	vadd.f32 $-3.000000000e+00, v7;
	v55 =	vmul.f32 v48, v9;
	v54 =	vmul.f32 v12, v11  }
0x66: {  	v14 =	vadd.f32 $-2.000000000e+00, v7;
	v29 =	vmul.f32 v32, v11;
	v9 =	vmul.f32 $1.442695020e+00, v8  }
0x67: {  	v23 =	vmul.f32 v38, v11;
	v16 =	vmul.f32 v13, v13  }
0x68: {  	v13 =	vadd.f32 $1.000000000e+00, v0;
	v37 =	vmul.f32 v11, v41;
	v15 =	vmul.f32 v46, v11  }
0x69: {  	v19 =	vmul.f32 v47, v11;
	v18 =	vmul.f32 v14, v14  }
0x6a: {  	v24 =	vmul.f32 v48, v11;
	v13 =	vmul.f32 v13, v13;
	v14 =	vpop (erf)  }
0x6b: {  	(erf) = vpow2.f32 v9;
	v25 =	vmul.f32 v32, v14  }
0x6c: {  	v26 =	vmul.f32 v38, v14;
	v11 =	vmul.f32 v13, v2  }
0x6d: {  	v50 =	vmul.f32 v14, v41;
	v35 =	vmul.f32 v46, v14  }
0x6e: {  	v31 =	vmul.f32 v47, v14;
	v21 =	vmul.f32 $1.442695020e+00, v11  }
0x6f: {  	v34 =	vmul.f32 v48, v14;
	v13 =	vmul.f32 v12, v14  }
0x70: {  	v14 =	vmul.f32 v20, v2;
	(erf) = vpow2.f32 v21  }
0x71: {  	[tilespmem:$0x1FF40] =	vst v3;
	v62 =	vmul.f32 v62, v2;
	v3 =	vmul.f32 v17, v2;
	v0 =	vadd.f32 $3.000000000e+00, v0  }
0x72: {  	v60 =	vmul.f32 v60, v2;
	v14 =	vmul.f32 $1.442695020e+00, v14  }
0x73: {  	v62 =	vmul.f32 $1.442695020e+00, v62;
	v0 =	vmul.f32 v0, v0  }
0x74: {  	v3 =	vmul.f32 $1.442695020e+00, v3;
	(erf) = vpow2.f32 v14  }
0x75: {  	v63 =	vmul.f32 v18, v2;
	v0 =	vmul.f32 v0, v2  }
0x76: {  	v60 =	vmul.f32 $1.442695020e+00, v60;
	v9 =	vmul.f32 v39, v2  }
0x77: {  	[tilespmem:$0x1FF30] =	vst v1;
	v1 =	vmul.f32 $1.442695020e+00, v63;
	v0 =	vmul.f32 $1.442695020e+00, v0;
	v21 =	vadd.f32 $3.000000000e+00, v7  }
0x78: {  	v9 =	vmul.f32 $1.442695020e+00, v9;
	v7 =	vmul.f32 v16, v2;
	v22 =	vpop (erf)  }
0x79: {  	v61 =	vmul.f32 v21, v21;
	(erf) = vpow2.f32 v0;
	v16 =	vpop (erf)  }
0x7a: {  	v7 =	vmul.f32 $1.442695020e+00, v7;
	v42 =	vmul.f32 v12, v16  }
0x7b: {  	v18 =	vmul.f32 v32, v16;
	v43 =	vmul.f32 v38, v16  }
0x7c: {  	v17 =	vmul.f32 v16, v41;
	v49 =	vmul.f32 v46, v16  }
0x7d: {  	v53 =	vmul.f32 v47, v16;
	v52 =	vmul.f32 v48, v16;
	v16 =	vpop (erf)  }
0x7e: {  	v20 =	vmul.f32 v12, v22;
	v0 =	vmul.f32 v16, v41  }
0x7f: {  	v27 =	vmul.f32 v32, v22;
	v30 =	vmul.f32 v38, v22  }
0x80: {  	v14 =	vmul.f32 v41, v22;
	[tilespmem:$0x1FEE0] =	vst v0;
	v0 =	vmul.f32 v46, v16  }
0x81: {  	v5 =	vsub.f32 v10, v5;
	v36 =	vmul.f32 v46, v22;
	v33 =	vmul.f32 v47, v22  }
0x82: {  	(erf) = vpow2.f32 v7;
	[tilespmem:$0x1FEF0] =	vst v0;
	v0 =	vmul.f32 v47, v16  }
0x83: {  	v22 =	vmul.f32 v48, v22;
	(erf) = vpow2.f32 v1;
	v1 =	vadd.f32 $-1.000000000e+00, v5  }
0x84: {  	v61 =	vmul.f32 v61, v2;
	(erf) = vpow2.f32 v3  }
0x85: {  	v6 =	vmul.u32 $0x110, v6;
	v8 =	vmul.f32 v1, v1;
	(erf) = vpow2.f32 v9  }
0x86: {  	v51 =	vmul.f32 v12, v16;
	v21 =	vmul.f32 v32, v16;
	[tilespmem:$0x1FF00] =	vst v0;
	v0 =	vpop (erf)  }
0x87: {  	v6 =	vadd.s32 v6, v40;
	v39 =	vmul.f32 v38, v16;
	v12 =	vmul.f32 v12, v0  }
0x88: {  	v40 =	vmul.f32 v32, v0;
	v32 =	vadd.s32 $0x5, v6;
	v38 =	vmul.f32 v38, v0  }
0x89: {  	v10 =	vmul.f32 v0, v41;
	v41 =	vadd.s32 $0x6, v6;
	v4 =	vmul.f32 v47, v0  }
0x8a: {  	v7 =	vadd.f32 $-2.000000000e+00, v5;
	v63 =	vmul.f32 v46, v0;
	v0 =	vmul.f32 v48, v0  }
0x8b: {  	v16 =	vmul.f32 v48, v16;
	v46 =	vadd.s32 $0x7, v6;
	v48 =	vadd.f32 $2.000000000e+00, v5;
	[tilespmem:$0x1FF10] =	vst v4  }
0x8c: {  	s22 =	simm.s32 $0x0;
	(erf) = vpow2.f32 v60;
	v47 =	vadd.s32 $0x8, v6;
	[tilespmem:$0x1FF20] =	vst v0;
	v0 =	vadd.f32 $-3.000000000e+00, v5  }
0x8d: {  	v8 =	vmul.f32 v8, v2;
	v1 =	vmul.f32 v48, v48;
	v48 =	vadd.s32 $0x9, v6;
	[tilespmem:v32+s22+$0x0] =	vst.idx.add.f32.msk $0xffff, v44  }
0x8e: {  	v4 =	vmul.f32 v7, v7;
	v7 =	vadd.f32 $1.000000000e+00, v5;
	v3 =	vmul.f32 v0, v0;
	[tilespmem:v41+s22+$0x0] =	vst.idx.add.f32.msk $0xffff, v45  }
0x8f: {  	v44 =	vadd.s32 $0xA, v6;
	v45 =	vadd.s32 $0xB, v6;
	v6 =	vmul.f32 $1.442695020e+00, v61;
	v61 =	vld [tilespmem:s31+$0xFFFFFFF0]  }
0x90: {  	v7 =	vmul.f32 v7, v7;
	v4 =	vmul.f32 v4, v2;
	[tilespmem:v46+s22+$0x0] =	vst.idx.add.f32.msk $0xffff, v58  }
0x91: {  	v1 =	vmul.f32 v1, v2;
	v3 =	vmul.f32 v3, v2;
	[tilespmem:v47+s22+$0x0] =	vst.idx.add.f32.msk $0xffff, v56  }
0x92: {  	s23 =	simm.s32 $0x116B0;
	v0 =	vadd.f32 $3.000000000e+00, v5;
	v7 =	vmul.f32 v7, v2;
	(erf) = vpow2.f32 v6;
	[tilespmem:v48+s22+$0x0] =	vst.idx.add.f32.msk $0xffff, v59  }
0x93: {  	v3 =	vmul.f32 $1.442695020e+00, v3;
	(erf) = vpow2.f32 v62;
	v62 =	vld [tilespmem:s23+$0x0]  }
0x94: {  	v0 =	vmul.f32 v0, v0;
	v4 =	vmul.f32 $1.442695020e+00, v4;
	[tilespmem:v44+s22+$0x0] =	vst.idx.add.f32.msk $0xffff, v57  }
0x95: {  	(erf) = vpow2.f32 v3;
	v3 =	vmul.f32 $1.442695020e+00, v8;
	[tilespmem:v45+s22+$0x0] =	vst.idx.add.f32.msk $0xffff, v55  }
0x96: {  	v0 =	vmul.f32 v0, v2;
	[tilespmem:v32+s14+$0x0] =	vst.idx.add.f32.msk $0xffff, v54  }
0x97: {  	v1 =	vmul.f32 $1.442695020e+00, v1;
	v6 =	vmul.f32 $1.442695020e+00, v7;
	v7 =	vpop (erf);
	[tilespmem:v41+s14+$0x0] =	vst.idx.add.f32.msk $0xffff, v29  }
0x98: {  	v0 =	vmul.f32 $1.442695020e+00, v0;
	(erf) = vpow2.f32 v4;
	v4 =	vpop (erf);
	[tilespmem:v46+s14+$0x0] =	vst.idx.add.f32.msk $0xffff, v23  }
0x99: {  	(erf) = vpow2.f32 v3;
	v3 =	vpop (erf);
	[tilespmem:v47+s14+$0x0] =	vst.idx.add.f32.msk $0xffff, v37  }
0x9a: {  	v8 =	vmul.f32 v4, v61;
	(erf) = vpow2.f32 v6;
	v4 =	vpop (erf);
	[tilespmem:v48+s14+$0x0] =	vst.idx.add.f32.msk $0xffff, v15  }
0x9b: {  	(erf) = vpow2.f32 v1;
	v1 =	vpop (erf);
	[tilespmem:v44+s14+$0x0] =	vst.idx.add.f32.msk $0xffff, v19  }
0x9c: {  	(erf) = vpow2.f32 v0;
	v0 =	vpop (erf);
	[tilespmem:v45+s14+$0x0] =	vst.idx.add.f32.msk $0xffff, v24  }
0x9d: {  	v9 =	vmul.f32 v3, v61;
	v6 =	vmul.f32 v1, v61;
	v1 =	vpop (erf);
	[tilespmem:v32+s15+$0x0] =	vst.idx.add.f32.msk $0xffff, v13  }
0x9e: {  	v23 =	vpop (erf);
	[tilespmem:v41+s15+$0x0] =	vst.idx.add.f32.msk $0xffff, v25  }
0x9f: {  	v3 =	vmul.f32 v9, v23;
	[tilespmem:v46+s15+$0x0] =	vst.idx.add.f32.msk $0xffff, v26  }
0xa0: {  	s25 =	simm.s32 $0x156B0;
	[tilespmem:v47+s15+$0x0] =	vst.idx.add.f32.msk $0xffff, v50  }
0xa1: {  	v11 =	vmul.f32 v7, v61;
	v7 =	vld [tilespmem:s25+$0x0];
	[tilespmem:$0x1FF60] =	vst v3  }
0xa2: {  	[tilespmem:v48+s15+$0x0] =	vst.idx.add.f32.msk $0xffff, v35  }
0xa3: {  	v5 =	vmul.f32 v5, v5;
	[tilespmem:v44+s15+$0x0] =	vst.idx.add.f32.msk $0xffff, v31  }
0xa4: {  	[tilespmem:v45+s15+$0x0] =	vst.idx.add.f32.msk $0xffff, v34  }
0xa5: {  	v5 =	vmul.f32 v5, v2;
	[tilespmem:v32+s16+$0x0] =	vst.idx.add.f32.msk $0xffff, v20  }
0xa6: {  	[tilespmem:v41+s16+$0x0] =	vst.idx.add.f32.msk $0xffff, v27;
	v27 =	vpop (erf)  }
0xa7: {  	v15 =	vmul.f32 $1.442695020e+00, v5;
	v5 =	vmul.f32 v8, v27;
	_ =	sdelay $0x1  }
0xa8: {  	v19 =	vmul.f32 v4, v61;
	[tilespmem:$0x1FF80] =	vst v5;
	v5 =	vmul.f32 v9, v27;
	_ =	sdelay $0x1  }
0xa9: {  	[tilespmem:$0x1FF90] =	vst v5;
	v5 =	vmul.f32 v19, v27;
	_ =	sdelay $0x1  }
0xaa: {  	[tilespmem:$0x1FFA0] =	vst v5;
	v5 =	vmul.f32 v6, v27  }
0xab: {  	[tilespmem:v46+s16+$0x0] =	vst.idx.add.f32.msk $0xffff, v30  }
0xac: {  	[tilespmem:$0x1FFB0] =	vst v5  }
0xad: {  	[tilespmem:v47+s16+$0x0] =	vst.idx.add.f32.msk $0xffff, v14  }
0xae: {  	[tilespmem:v48+s16+$0x0] =	vst.idx.add.f32.msk $0xffff, v36  }
0xaf: {  	[tilespmem:v44+s16+$0x0] =	vst.idx.add.f32.msk $0xffff, v33  }
0xb0: {  	[tilespmem:v45+s16+$0x0] =	vst.idx.add.f32.msk $0xffff, v22  }
0xb1: {  	[tilespmem:v32+s17+$0x0] =	vst.idx.add.f32.msk $0xffff, v42  }
0xb2: {  	v34 =	vpop (erf);
	[tilespmem:v41+s17+$0x0] =	vst.idx.add.f32.msk $0xffff, v18  }
0xb3: {  	v5 =	vmul.f32 v19, v34;
	[tilespmem:v46+s17+$0x0] =	vst.idx.add.f32.msk $0xffff, v43  }
0xb4: {  	[tilespmem:v47+s17+$0x0] =	vst.idx.add.f32.msk $0xffff, v17  }
0xb5: {  	[tilespmem:$0x1FFC0] =	vst v5;
	v5 =	vmul.f32 v6, v34  }
0xb6: {  	[tilespmem:v48+s17+$0x0] =	vst.idx.add.f32.msk $0xffff, v49  }
0xb7: {  	[tilespmem:$0x1FFD0] =	vst v5  }
0xb8: {  	[tilespmem:v44+s17+$0x0] =	vst.idx.add.f32.msk $0xffff, v53  }
0xb9: {  	[tilespmem:v45+s17+$0x0] =	vst.idx.add.f32.msk $0xffff, v52  }
0xba: {  	v13 =	vmul.f32 v0, v61;
	[tilespmem:v32+s18+$0x0] =	vst.idx.add.f32.msk $0xffff, v51  }
0xbb: {  	v28 =	vmul.f32 v1, v61;
	v0 =	vadd.f32 $5.000000000e-01, v7;
	v1 =	vadd.f32 $5.000000000e-01, v62;
	[tilespmem:v41+s18+$0x0] =	vst.idx.add.f32.msk $0xffff, v21  }
0xbc: {  	[tilespmem:v46+s18+$0x0] =	vst.idx.add.f32.msk $0xffff, v39  }
0xbd: {  	v4 =	vtrunc.f32 v1;
	v3 =	vtrunc.f32 v0;
	v5 =	vld [tilespmem:$0x1FEE0]  }
0xbe: {  	v24 =	vcvt.f32.s32 v3;
	vm12 =	vlt.f32 v0, v3;
	v3 =	vimm.s32 $0x0  }
0xbf: {  	vm13 =	vlt.f32 v1, v4;
	v0 =	vcvt.f32.s32 v4;
	v1 =	vsel vm12, $0xFFFFFFFF, v3  }
0xc0: {  	v3 =	vsel vm13, $0xFFFFFFFF, v3;
	v4 =	vadd.s32 v24, v1  }
0xc1: {  	v0 =	vadd.s32 v0, v3;
	v1 =	vcvt.s32.f32 v4  }
0xc2: {  	v3 =	vcvt.s32.f32 v0;
	[tilespmem:v47+s18+$0x0] =	vst.idx.add.f32.msk $0xffff, v5  }
0xc3: {  	v1 =	vsub.f32 v1, v7;
	v5 =	vld [tilespmem:$0x1FEF0]  }
0xc4: {  	v3 =	vsub.f32 v3, v62  }
0xc5: {  	v7 =	vadd.f32 $-3.000000000e+00, v1  }
0xc6: {  	(erf) = vpow2.f32 v15;
	v24 =	vadd.f32 $-2.000000000e+00, v1;
	v61 =	vadd.f32 $-2.000000000e+00, v3  }
0xc7: {  	v50 =	vadd.f32 $-1.000000000e+00, v1;
	v60 =	vmul.f32 v3, v3;
	v7 =	vmul.f32 v7, v7  }
0xc8: {  	v62 =	vadd.f32 $-1.000000000e+00, v3;
	v24 =	vmul.f32 v24, v24;
	v26 =	vmul.f32 v61, v61;
	[tilespmem:v48+s18+$0x0] =	vst.idx.add.f32.msk $0xffff, v5  }
0xc9: {  	v25 =	vadd.f32 $-3.000000000e+00, v3;
	v59 =	vmul.f32 v50, v50;
	v7 =	vmul.f32 v7, v2;
	v5 =	vld [tilespmem:$0x1FF00]  }
0xca: {  	v58 =	vmul.f32 v62, v62;
	v26 =	vmul.f32 v26, v2  }
0xcb: {  	v7 =	vmul.f32 $1.442695020e+00, v7;
	v22 =	vmul.f32 v25, v25;
	v25 =	vadd.f32 $1.000000000e+00, v3  }
0xcc: {  	v36 =	vmul.f32 v60, v2;
	v42 =	vadd.f32 $2.000000000e+00, v3;
	v3 =	vadd.f32 $3.000000000e+00, v3  }
0xcd: {  	(erf) = vpow2.f32 v7;
	v50 =	vmul.f32 v25, v25  }
0xce: {  	v3 =	vmul.f32 v3, v3;
	v17 =	vmul.f32 v22, v2;
	[tilespmem:v44+s18+$0x0] =	vst.idx.add.f32.msk $0xffff, v5  }
0xcf: {  	v18 =	vmul.f32 v42, v42;
	v22 =	vmul.f32 $1.442695020e+00, v36;
	[tilespmem:v45+s18+$0x0] =	vst.idx.add.f32.msk $0xffff, v16  }
0xd0: {  	v3 =	vmul.f32 v3, v2;
	v17 =	vmul.f32 $1.442695020e+00, v17;
	[tilespmem:v32+s19+$0x0] =	vst.idx.add.f32.msk $0xffff, v12  }
0xd1: {  	v53 =	vmul.f32 v50, v2;
	v52 =	vmul.f32 v58, v2;
	[tilespmem:v41+s19+$0x0] =	vst.idx.add.f32.msk $0xffff, v40  }
0xd2: {  	v58 =	vmul.f32 v18, v2;
	v18 =	vmul.f32 $1.442695020e+00, v26;
	[tilespmem:v46+s19+$0x0] =	vst.idx.add.f32.msk $0xffff, v38  }
0xd3: {  	(erf) = vpow2.f32 v17;
	v7 =	vmul.f32 $1.442695020e+00, v52;
	[tilespmem:v47+s19+$0x0] =	vst.idx.add.f32.msk $0xffff, v10  }
0xd4: {  	v3 =	vmul.f32 $1.442695020e+00, v3;
	(erf) = vpow2.f32 v18;
	[tilespmem:v48+s19+$0x0] =	vst.idx.add.f32.msk $0xffff, v63  }
0xd5: {  	v26 =	vmul.f32 $1.442695020e+00, v53;
	(erf) = vpow2.f32 v7;
	v5 =	vld [tilespmem:$0x1FF10]  }
0xd6: {  	v18 =	vpop (erf);
	v7 =	vmul.f32 $1.442695020e+00, v58;
	(erf) = vpow2.f32 v22  }
0xd7: {  	s24 =	simm.s32 $0x196B0;
	v17 =	vpop (erf);
	(erf) = vpow2.f32 v26;
	v12 =	vmul.f32 v24, v2  }
0xd8: {  	v60 =	vld [tilespmem:s24+$0x0];
	v21 =	vpop (erf);
	(erf) = vpow2.f32 v7;
	v7 =	vmul.f32 v59, v2  }
0xd9: {  	v4 =	vmul.u32 $0x110, v4;
	v32 =	vpop (erf);
	(erf) = vpow2.f32 v3;
	v3 =	vmul.f32 $1.442695020e+00, v12  }
0xda: {  	[tilespmem:v44+s19+$0x0] =	vst.idx.add.f32.msk $0xffff, v5  }
0xdb: {  	v4 =	vadd.s32 v4, v0;
	v7 =	vmul.f32 $1.442695020e+00, v7;
	v61 =	vpop (erf);
	v5 =	vld [tilespmem:$0x1FF20]  }
0xdc: {  	v22 =	vadd.s32 $0x5, v4;
	v0 =	vpop (erf);
	(erf) = vpow2.f32 v3  }
0xdd: {  	v42 =	vadd.s32 $0x6, v4;
	v59 =	vmul.f32 v1, v1;
	v0 =	vmul.f32 v0, v60;
	v3 =	vpop (erf)  }
0xde: {  	v43 =	vadd.s32 $0x7, v4;
	v12 =	vmul.f32 v3, v60;
	v3 =	vpop (erf);
	(erf) = vpow2.f32 v7  }
0xdf: {  	v50 =	vld [tilespmem:s23+$0xFFFFFFF0];
	v10 =	vmul.f32 v3, v60;
	v3 =	vmul.f32 v0, v61;
	v7 =	vpop (erf);
	v44 =	vadd.s32 $0x8, v4  }
0xe0: {  	v7 =	vmul.f32 v7, v60;
	v62 =	vmul.f32 v12, v61;
	v24 =	vpop (erf);
	[tilespmem:v45+s19+$0x0] =	vst.idx.add.f32.msk $0xffff, v5;
	v45 =	vadd.s32 $0x9, v4  }
0xe1: {  	v46 =	vadd.s32 $0xA, v4;
	v24 =	vmul.f32 v24, v60;
	v26 =	vpop (erf);
	[tilespmem:v22+s22+$0x0] =	vst.idx.add.f32.msk $0xffff, v3;
	v3 =	vmul.f32 v10, v61  }
0xe2: {  	v47 =	vadd.s32 $0xB, v4;
	v26 =	vmul.f32 v26, v60;
	v63 =	vpop (erf);
	[tilespmem:v42+s22+$0x0] =	vst.idx.add.f32.msk $0xffff, v62;
	v4 =	vmul.f32 v61, v7  }
0xe3: {  	v36 =	vmul.f32 v63, v60;
	[tilespmem:v43+s22+$0x0] =	vst.idx.add.f32.msk $0xffff, v3;
	v3 =	vmul.f32 v24, v61  }
0xe4: {  	[tilespmem:v44+s22+$0x0] =	vst.idx.add.f32.msk $0xffff, v4;
	v4 =	vmul.f32 v26, v61  }
0xe5: {  	v48 =	vmul.f32 v59, v2;
	v49 =	vpop (erf);
	[tilespmem:v45+s22+$0x0] =	vst.idx.add.f32.msk $0xffff, v3;
	v3 =	vmul.f32 v36, v61  }
0xe6: {  	v58 =	vadd.f32 $5.000000000e-01, v50;
	[tilespmem:v46+s22+$0x0] =	vst.idx.add.f32.msk $0xffff, v4;
	v4 =	vmul.f32 v0, v49  }
0xe7: {  	v48 =	vmul.f32 $1.442695020e+00, v48;
	[tilespmem:v47+s22+$0x0] =	vst.idx.add.f32.msk $0xffff, v3;
	v3 =	vmul.f32 v12, v49  }
0xe8: {  	v15 =	vimm.s32 $0x0;
	v60 =	vtrunc.f32 v58;
	[tilespmem:v22+s14+$0x0] =	vst.idx.add.f32.msk $0xffff, v4;
	v4 =	vmul.f32 v10, v49  }
0xe9: {  	v62 =	vadd.f32 $1.000000000e+00, v1;
	(erf) = vpow2.f32 v48;
	[tilespmem:v42+s14+$0x0] =	vst.idx.add.f32.msk $0xffff, v3;
	v3 =	vmul.f32 v49, v7  }
0xea: {  	vm14 =	vlt.f32 v58, v60;
	v63 =	vmul.f32 v24, v49;
	v61 =	vcvt.f32.s32 v60;
	[tilespmem:v43+s14+$0x0] =	vst.idx.add.f32.msk $0xffff, v4  }
0xeb: {  	v60 =	vsel vm14, $0xFFFFFFFF, v15;
	v4 =	vmul.f32 v62, v62;
	[tilespmem:v44+s14+$0x0] =	vst.idx.add.f32.msk $0xffff, v3;
	v3 =	vmul.f32 v26, v49  }
0xec: {  	v51 =	vpop (erf);
	v48 =	vadd.s32 v61, v60;
	v49 =	vmul.f32 v36, v49;
	[tilespmem:v45+s14+$0x0] =	vst.idx.add.f32.msk $0xffff, v63  }
0xed: {  	v4 =	vmul.f32 v4, v2;
	[tilespmem:v46+s14+$0x0] =	vst.idx.add.f32.msk $0xffff, v3;
	v3 =	vmul.f32 v0, v51  }
0xee: {  	v60 =	vmul.f32 v24, v51;
	v62 =	vmul.f32 v12, v51;
	[tilespmem:v47+s14+$0x0] =	vst.idx.add.f32.msk $0xffff, v49  }
0xef: {  	v61 =	vadd.f32 $2.000000000e+00, v1;
	v4 =	vmul.f32 $1.442695020e+00, v4;
	[tilespmem:v22+s15+$0x0] =	vst.idx.add.f32.msk $0xffff, v3;
	v3 =	vmul.f32 v10, v51  }
0xf0: {  	v1 =	vadd.f32 $3.000000000e+00, v1;
	v52 =	vcvt.s32.f32 v48;
	v63 =	vmul.f32 v51, v7;
	[tilespmem:v42+s15+$0x0] =	vst.idx.add.f32.msk $0xffff, v62  }
0xf1: {  	v53 =	vmul.f32 v61, v61;
	(erf) = vpow2.f32 v4;
	[tilespmem:v43+s15+$0x0] =	vst.idx.add.f32.msk $0xffff, v3  }
0xf2: {  	v1 =	vmul.f32 v1, v1;
	v4 =	vmul.f32 v26, v51;
	[tilespmem:v44+s15+$0x0] =	vst.idx.add.f32.msk $0xffff, v63  }
0xf3: {  	v61 =	vmul.f32 v36, v51;
	v62 =	vpop (erf);
	v3 =	vmul.f32 v53, v2;
	[tilespmem:v45+s15+$0x0] =	vst.idx.add.f32.msk $0xffff, v60  }
0xf4: {  	v1 =	vmul.f32 v1, v2;
	[tilespmem:v46+s15+$0x0] =	vst.idx.add.f32.msk $0xffff, v4;
	v4 =	vmul.f32 v0, v62  }
0xf5: {  	v63 =	vmul.f32 v12, v62;
	v3 =	vmul.f32 $1.442695020e+00, v3;
	[tilespmem:v47+s15+$0x0] =	vst.idx.add.f32.msk $0xffff, v61  }
0xf6: {  	v59 =	vsub.f32 v52, v50;
	v1 =	vmul.f32 $1.442695020e+00, v1;
	[tilespmem:v22+s16+$0x0] =	vst.idx.add.f32.msk $0xffff, v4;
	v4 =	vmul.f32 v10, v62  }
0xf7: {  	v58 =	vmul.f32 v7, v62;
	(erf) = vpow2.f32 v3;
	[tilespmem:v42+s16+$0x0] =	vst.idx.add.f32.msk $0xffff, v63  }
0xf8: {  	v52 =	vadd.f32 $-2.000000000e+00, v59;
	[tilespmem:v43+s16+$0x0] =	vst.idx.add.f32.msk $0xffff, v4;
	v4 =	vmul.f32 v24, v62  }
0xf9: {  	v60 =	vmul.f32 v26, v62;
	(erf) = vpow2.f32 v1;
	[tilespmem:v44+s16+$0x0] =	vst.idx.add.f32.msk $0xffff, v58  }
0xfa: {  	v1 =	vmul.f32 v52, v52;
	v61 =	vpop (erf);
	[tilespmem:v45+s16+$0x0] =	vst.idx.add.f32.msk $0xffff, v4;
	v4 =	vmul.f32 v36, v62  }
0xfb: {  	v62 =	vmul.f32 v0, v61;
	[tilespmem:v46+s16+$0x0] =	vst.idx.add.f32.msk $0xffff, v60  }
0xfc: {  	v52 =	vmul.f32 v1, v2;
	v1 =	vmul.f32 v12, v61;
	[tilespmem:v47+s16+$0x0] =	vst.idx.add.f32.msk $0xffff, v4  }
0xfd: {  	v4 =	vmul.f32 v10, v61;
	[tilespmem:v22+s17+$0x0] =	vst.idx.add.f32.msk $0xffff, v62  }
0xfe: {  	v63 =	vmul.f32 v61, v7;
	[tilespmem:v42+s17+$0x0] =	vst.idx.add.f32.msk $0xffff, v1  }
0xff: {  	v1 =	vmul.f32 v24, v61;
	[tilespmem:v43+s17+$0x0] =	vst.idx.add.f32.msk $0xffff, v4  }
0x100: {  	v53 =	vmul.f32 v26, v61;
	v58 =	vpop (erf);
	[tilespmem:v44+s17+$0x0] =	vst.idx.add.f32.msk $0xffff, v63  }
0x101: {  	v4 =	vmul.f32 v36, v61;
	v50 =	vmul.f32 v0, v58;
	[tilespmem:v45+s17+$0x0] =	vst.idx.add.f32.msk $0xffff, v1  }
0x102: {  	v51 =	vmul.f32 v12, v58;
	v60 =	vmul.f32 v10, v58;
	[tilespmem:v46+s17+$0x0] =	vst.idx.add.f32.msk $0xffff, v53  }
0x103: {  	v61 =	vmul.f32 v58, v7;
	v62 =	vmul.f32 v24, v58;
	[tilespmem:v47+s17+$0x0] =	vst.idx.add.f32.msk $0xffff, v4  }
0x104: {  	v5 =	vmul.f32 v36, v58;
	v63 =	vmul.f32 v26, v58;
	v58 =	vpop (erf);
	[tilespmem:v22+s18+$0x0] =	vst.idx.add.f32.msk $0xffff, v50  }
0x105: {  	v4 =	vmul.f32 v0, v58;
	v0 =	vld [tilespmem:$0x1FF30];
	_ =	sdelay $0x3  }
0x106: {  	[tilespmem:v42+s18+$0x0] =	vst.idx.add.f32.msk $0xffff, v51  }
0x107: {  	v50 =	vmul.u32 $0x110, v0;
	v0 =	vld [tilespmem:$0x1FF40];
	_ =	sdelay $0x2  }
0x108: {  	v54 =	vmul.f32 v11, v23;
	v3 =	vadd.f32 $-3.000000000e+00, v59  }
0x109: {  	v56 =	vmul.f32 v8, v23;
	v31 =	vmul.f32 v11, v27  }
0x10a: {  	v3 =	vmul.f32 v3, v3;
	[tilespmem:v43+s18+$0x0] =	vst.idx.add.f32.msk $0xffff, v60;
	v0 =	vadd.s32 v50, v0  }
0x10b: {  	v55 =	vmul.f32 v8, v34;
	v14 =	vmul.f32 v11, v34;
	[tilespmem:v44+s18+$0x0] =	vst.idx.add.f32.msk $0xffff, v61;
	v50 =	vadd.s32 $0x5, v0  }
0x10c: {  	v29 =	vmul.f32 v8, v18;
	v3 =	vmul.f32 v3, v2;
	[tilespmem:v45+s18+$0x0] =	vst.idx.add.f32.msk $0xffff, v62  }
0x10d: {  	v39 =	vmul.f32 v11, v32;
	v41 =	vmul.f32 v8, v32;
	[tilespmem:v46+s18+$0x0] =	vst.idx.add.f32.msk $0xffff, v63  }
0x10e: {  	v25 =	vmul.f32 v12, v58;
	v12 =	vmul.f32 $1.442695020e+00, v3;
	[tilespmem:v47+s18+$0x0] =	vst.idx.add.f32.msk $0xffff, v5  }
0x10f: {  	[tilespmem:v22+s19+$0x0] =	vst.idx.add.f32.msk $0xffff, v4;
	v5 =	vadd.s32 $0xA, v0;
	v0 =	vmul.f32 v9, v21;
	v3 =	vadd.s32 $0x1, v50  }
0x110: {  	v20 =	vmul.f32 v24, v58;
	v24 =	vmul.f32 v36, v58;
	[tilespmem:v50+s22+$0x0] =	vst.idx.add.f32.msk $0xffff, v54  }
0x111: {  	v1 =	vld [tilespmem:s25+$0xFFFFFFF0];
	v36 =	vmul.f32 v11, v21;
	[tilespmem:$0x1FF50] =	vst v0;
	v0 =	vmul.f32 v19, v17  }
0x112: {  	v53 =	vmul.f32 v11, v18;
	v51 =	vmul.f32 $1.442695020e+00, v52  }
0x113: {  	(erf) = vpow2.f32 v12;
	v52 =	vmul.f32 v8, v17;
	[tilespmem:$0x1FFE0] =	vst v0  }
0x114: {  	(erf) = vpow2.f32 v51;
	v51 =	vmul.f32 v11, v17;
	[tilespmem:v3+s22+$0x0] =	vst.idx.add.f32.msk $0xffff, v56  }
0x115: {  	v11 =	vmul.f32 v8, v21;
	v61 =	vmul.f32 v58, v7;
	v7 =	vadd.s32 $0x2, v50;
	v8 =	vld [tilespmem:$0x1FF60];
	_ =	sdelay $0x2  }
0x116: {  	v60 =	vmul.f32 v10, v58;
	v10 =	vadd.s32 $0x3, v50;
	_ =	sdelay $0x1  }
0x117: {  	[tilespmem:v7+s22+$0x0] =	vst.idx.add.f32.msk $0xffff, v8;
	v8 =	vmul.f32 v6, v17  }
0x118: {  	v12 =	vadd.s32 $0x4, v50;
	v0 =	vmul.f32 v23, v28  }
0x119: {  	[tilespmem:$0x1FFF0] =	vst v8  }
0x11a: {  	v4 =	vadd.s32 $0x6, v50;
	[tilespmem:v10+s22+$0x0] =	vst.idx.add.f32.msk $0xffff, v0;
	v0 =	vmul.f32 v6, v21  }
0x11b: {  	v35 =	vmul.f32 v19, v23  }
0x11c: {  	v57 =	vmul.f32 v6, v23;
	v37 =	vmul.f32 v13, v23;
	v23 =	vadd.f32 $5.000000000e-01, v1;
	[tilespmem:$0x1FF70] =	vst v0  }
0x11d: {  	[tilespmem:v12+s22+$0x0] =	vst.idx.add.f32.msk $0xffff, v35  }
0x11e: {  	v0 =	vtrunc.f32 v23;
	[tilespmem:v5+s22+$0x0] =	vst.idx.add.f32.msk $0xffff, v57  }
0x11f: {  	vm15 =	vlt.f32 v23, v0;
	v0 =	vcvt.f32.s32 v0;
	[tilespmem:v4+s22+$0x0] =	vst.idx.add.f32.msk $0xffff, v37  }
0x120: {  	v57 =	vsel vm15, $0xFFFFFFFF, v15;
	[tilespmem:v50+s14+$0x0] =	vst.idx.add.f32.msk $0xffff, v31  }
0x121: {  	v16 =	vadd.s32 v0, v57;
	v0 =	vld [tilespmem:$0x1FF80];
	_ =	sdelay $0x1  }
0x122: {  	v33 =	vmul.f32 v9, v34;
	v30 =	vmul.f32 v9, v18  }
0x123: {  	v40 =	vmul.f32 v9, v32;
	v38 =	vmul.f32 v19, v32  }
0x124: {  	v49 =	vmul.f32 v6, v32;
	v62 =	vmul.f32 v26, v58  }
0x125: {  	v58 =	vmul.f32 v19, v18;
	v22 =	vmul.f32 v9, v17;
	[tilespmem:v3+s14+$0x0] =	vst.idx.add.f32.msk $0xffff, v0  }
0x126: {  	v9 =	vmul.f32 v19, v21;
	v19 =	vmul.f32 v6, v18;
	v6 =	vld [tilespmem:$0x1FF90];
	_ =	sdelay $0x3  }
0x127: {  	v35 =	vmul.f32 v13, v27;
	v27 =	vmul.f32 v27, v28  }
0x128: {  	[tilespmem:v7+s14+$0x0] =	vst.idx.add.f32.msk $0xffff, v6  }
0x129: {  	[tilespmem:v10+s14+$0x0] =	vst.idx.add.f32.msk $0xffff, v27  }
0x12a: {  	v6 =	vld [tilespmem:$0x1FFA0];
	_ =	sdelay $0x4  }
0x12b: {  	[tilespmem:v12+s14+$0x0] =	vst.idx.add.f32.msk $0xffff, v6  }
0x12c: {  	v6 =	vld [tilespmem:$0x1FFB0];
	_ =	sdelay $0x2  }
0x12d: {  	v63 =	vadd.f32 $2.000000000e+00, v59;
	_ =	sdelay $0x1  }
0x12e: {  	v63 =	vmul.f32 v63, v63;
	v54 =	vmul.f32 v13, v34;
	[tilespmem:v5+s14+$0x0] =	vst.idx.add.f32.msk $0xffff, v6  }
0x12f: {  	v34 =	vmul.f32 v34, v28;
	v37 =	vadd.f32 $-1.000000000e+00, v59;
	v31 =	vcvt.s32.f32 v16;
	[tilespmem:v4+s14+$0x0] =	vst.idx.add.f32.msk $0xffff, v35  }
0x130: {  	v56 =	vmul.f32 v13, v32;
	v23 =	vmul.f32 v13, v18;
	v57 =	vadd.f32 $1.000000000e+00, v59;
	[tilespmem:v50+s15+$0x0] =	vst.idx.add.f32.msk $0xffff, v14  }
0x131: {  	v1 =	vsub.f32 v31, v1;
	v31 =	vmul.f32 v37, v37;
	v0 =	vadd.f32 $3.000000000e+00, v59;
	[tilespmem:v3+s15+$0x0] =	vst.idx.add.f32.msk $0xffff, v55  }
0x132: {  	v37 =	vmul.f32 v57, v57;
	v57 =	vmul.f32 v63, v2;
	[tilespmem:v7+s15+$0x0] =	vst.idx.add.f32.msk $0xffff, v33  }
0x133: {  	v31 =	vmul.f32 v31, v2;
	v0 =	vmul.f32 v0, v0;
	[tilespmem:v10+s15+$0x0] =	vst.idx.add.f32.msk $0xffff, v34  }
0x134: {  	v37 =	vmul.f32 v37, v2;
	v27 =	vmul.f32 v59, v59;
	v59 =	vadd.f32 $-3.000000000e+00, v1;
	v8 =	vld [tilespmem:$0x1FFC0]  }
0x135: {  	v31 =	vmul.f32 $1.442695020e+00, v31;
	v15 =	vmul.f32 v0, v2  }
0x136: {  	v57 =	vmul.f32 $1.442695020e+00, v57;
	v59 =	vmul.f32 v59, v59  }
0x137: {  	v63 =	vadd.f32 $-2.000000000e+00, v1;
	(erf) = vpow2.f32 v31;
	v15 =	vmul.f32 $1.442695020e+00, v15  }
0x138: {  	v31 =	vld [tilespmem:s24+$0xFFFFFFF0];
	v0 =	vadd.f32 $-1.000000000e+00, v1;
	v27 =	vmul.f32 v27, v2;
	v59 =	vmul.f32 v59, v2  }
0x139: {  	v6 =	vadd.f32 $2.000000000e+00, v1;
	v35 =	vmul.f32 v63, v63;
	v63 =	vadd.f32 $1.000000000e+00, v1;
	[tilespmem:v12+s15+$0x0] =	vst.idx.add.f32.msk $0xffff, v8  }
0x13a: {  	v27 =	vmul.f32 $1.442695020e+00, v27;
	v14 =	vmul.f32 v0, v0;
	v0 =	vadd.f32 $3.000000000e+00, v1;
	v8 =	vld [tilespmem:$0x1FFD0]  }
0x13b: {  	v6 =	vmul.f32 v6, v6;
	v63 =	vmul.f32 v63, v63;
	[tilespmem:v42+s19+$0x0] =	vst.idx.add.f32.msk $0xffff, v25  }
0x13c: {  	v35 =	vmul.f32 v35, v2;
	v0 =	vmul.f32 v0, v0;
	[tilespmem:v43+s19+$0x0] =	vst.idx.add.f32.msk $0xffff, v60  }
0x13d: {  	v33 =	vmul.f32 $1.442695020e+00, v37;
	v14 =	vmul.f32 v14, v2;
	[tilespmem:v44+s19+$0x0] =	vst.idx.add.f32.msk $0xffff, v61  }
0x13e: {  	v6 =	vmul.f32 v6, v2;
	v37 =	vmul.f32 $1.442695020e+00, v59;
	[tilespmem:v45+s19+$0x0] =	vst.idx.add.f32.msk $0xffff, v20  }
0x13f: {  	v63 =	vmul.f32 v63, v2;
	(erf) = vpow2.f32 v33;
	[tilespmem:v46+s19+$0x0] =	vst.idx.add.f32.msk $0xffff, v62  }
0x140: {  	v35 =	vmul.f32 $1.442695020e+00, v35;
	(erf) = vpow2.f32 v57;
	[tilespmem:v5+s15+$0x0] =	vst.idx.add.f32.msk $0xffff, v8  }
0x141: {  	v0 =	vmul.f32 v0, v2;
	(erf) = vpow2.f32 v15;
	[tilespmem:v47+s19+$0x0] =	vst.idx.add.f32.msk $0xffff, v24  }
0x142: {  	v14 =	vmul.f32 $1.442695020e+00, v14;
	(erf) = vpow2.f32 v27;
	[tilespmem:v4+s15+$0x0] =	vst.idx.add.f32.msk $0xffff, v54  }
0x143: {  	v6 =	vmul.f32 $1.442695020e+00, v6;
	(erf) = vpow2.f32 v37;
	[tilespmem:v50+s16+$0x0] =	vst.idx.add.f32.msk $0xffff, v39  }
0x144: {  	v0 =	vmul.f32 $1.442695020e+00, v0;
	v15 =	vmul.f32 v28, v32;
	[tilespmem:v3+s16+$0x0] =	vst.idx.add.f32.msk $0xffff, v41  }
0x145: {  	(erf) = vpow2.f32 v35;
	v25 =	vmul.f32 $1.442695020e+00, v63;
	v20 =	vpop (erf);
	[tilespmem:v7+s16+$0x0] =	vst.idx.add.f32.msk $0xffff, v40  }
0x146: {  	v1 =	vmul.f32 v1, v1;
	(erf) = vpow2.f32 v14;
	v14 =	vpop (erf);
	[tilespmem:v10+s16+$0x0] =	vst.idx.add.f32.msk $0xffff, v15  }
0x147: {  	(erf) = vpow2.f32 v25;
	v45 =	vmul.f32 v14, v31;
	v14 =	vpop (erf);
	v15 =	vmul.u32 $0x110, v16;
	[tilespmem:v12+s16+$0x0] =	vst.idx.add.f32.msk $0xffff, v38  }
0x148: {  	v18 =	vmul.f32 v18, v28;
	(erf) = vpow2.f32 v6;
	v6 =	vpop (erf);
	[tilespmem:v5+s16+$0x0] =	vst.idx.add.f32.msk $0xffff, v49  }
0x149: {  	v1 =	vmul.f32 v1, v2;
	(erf) = vpow2.f32 v0;
	v0 =	vpop (erf);
	v24 =	vadd.s32 v15, v48;
	[tilespmem:v4+s16+$0x0] =	vst.idx.add.f32.msk $0xffff, v56  }
0x14a: {  	v46 =	vmul.f32 v14, v31;
	v48 =	vmul.f32 v0, v31;
	v0 =	vpop (erf);
	v14 =	vadd.s32 $0x5, v24;
	[tilespmem:v50+s17+$0x0] =	vst.idx.add.f32.msk $0xffff, v53  }
0x14b: {  	v44 =	vmul.f32 v20, v31;
	v49 =	vmul.f32 v0, v31;
	v0 =	vpop (erf);
	v25 =	vadd.s32 $0x1, v14;
	[tilespmem:v3+s17+$0x0] =	vst.idx.add.f32.msk $0xffff, v29  }
0x14c: {  	v1 =	vmul.f32 $1.442695020e+00, v1;
	v39 =	vpop (erf);
	[tilespmem:v7+s17+$0x0] =	vst.idx.add.f32.msk $0xffff, v30  }
0x14d: {  	v20 =	vadd.s32 $0x2, v14;
	v15 =	vmul.f32 v0, v31;
	v0 =	vmul.f32 v44, v39;
	[tilespmem:v10+s17+$0x0] =	vst.idx.add.f32.msk $0xffff, v18  }
0x14e: {  	(erf) = vpow2.f32 v1;
	v1 =	vmul.f32 v45, v39;
	[tilespmem:v12+s17+$0x0] =	vst.idx.add.f32.msk $0xffff, v58  }
0x14f: {  	[tilespmem:v14+s22+$0x0] =	vst.idx.add.f32.msk $0xffff, v0  }
0x150: {  	v16 =	vmul.f32 v46, v39;
	[tilespmem:v25+s22+$0x0] =	vst.idx.add.f32.msk $0xffff, v1  }
0x151: {  	[tilespmem:v5+s17+$0x0] =	vst.idx.add.f32.msk $0xffff, v19  }
0x152: {  	[tilespmem:v20+s22+$0x0] =	vst.idx.add.f32.msk $0xffff, v16  }
0x153: {  	[tilespmem:v4+s17+$0x0] =	vst.idx.add.f32.msk $0xffff, v23  }
0x154: {  	[tilespmem:v50+s18+$0x0] =	vst.idx.add.f32.msk $0xffff, v51  }
0x155: {  	v47 =	vmul.f32 v6, v31;
	v6 =	vmul.f32 v17, v28;
	[tilespmem:v3+s18+$0x0] =	vst.idx.add.f32.msk $0xffff, v52  }
0x156: {  	[tilespmem:v7+s18+$0x0] =	vst.idx.add.f32.msk $0xffff, v22  }
0x157: {  	v26 =	vmul.f32 v13, v17;
	v13 =	vmul.f32 v13, v21;
	[tilespmem:v10+s18+$0x0] =	vst.idx.add.f32.msk $0xffff, v6  }
0x158: {  	v38 =	vmul.f32 v21, v28;
	v35 =	vmul.f32 v47, v39;
	v41 =	vpop (erf);
	v6 =	vld [tilespmem:$0x1FFE0]  }
0x159: {  	v37 =	vmul.f32 v48, v39;
	v63 =	vmul.f32 v45, v41  }
0x15a: {  	v56 =	vmul.f32 v46, v41;
	v62 =	vmul.f32 v47, v41  }
0x15b: {  	v40 =	vpop (erf);
	v61 =	vmul.f32 v48, v41;
	v59 =	vmul.f32 v49, v41  }
0x15c: {  	v60 =	vmul.f32 v44, v40;
	v57 =	vmul.f32 v46, v40  }
0x15d: {  	v54 =	vmul.f32 v47, v40;
	v55 =	vmul.f32 v48, v40;
	[tilespmem:v12+s18+$0x0] =	vst.idx.add.f32.msk $0xffff, v6  }
0x15e: {  	v21 =	vpop (erf);
	v53 =	vmul.f32 v49, v40;
	v0 =	vmul.f32 v49, v39;
	v6 =	vld [tilespmem:$0x1FFF0]  }
0x15f: {  	v58 =	vmul.f32 v45, v40;
	v32 =	vmul.f32 v44, v21;
	v19 =	vpop (erf)  }
0x160: {  	v30 =	vmul.f32 v45, v21;
	v29 =	vmul.f32 v46, v21;
	v17 =	vpop (erf)  }
0x161: {  	v18 =	vadd.s32 $0xA, v24;
	v27 =	vmul.f32 v47, v21;
	v24 =	vmul.f32 v49, v21;
	v28 =	vpop (erf)  }
0x162: {  	v1 =	vmul.f32 v44, v41;
	v52 =	vmul.f32 v44, v28  }
0x163: {  	v23 =	vadd.s32 $0x4, v14;
	v51 =	vmul.f32 v45, v28;
	v43 =	vmul.f32 v46, v28;
	[tilespmem:v5+s18+$0x0] =	vst.idx.add.f32.msk $0xffff, v6  }
0x164: {  	v16 =	vadd.s32 $0x6, v14;
	v33 =	vmul.f32 v47, v28;
	v34 =	vmul.f32 v48, v28;
	[tilespmem:v4+s18+$0x0] =	vst.idx.add.f32.msk $0xffff, v26  }
0x165: {  	s26 =	simm.s32 $0x20;
	s28 =	simm.s32 $0x156D0;
	s25 =	simm.s32 $0x338;
	v31 =	vmul.f32 v49, v28;
	v22 =	vadd.s32 $0x3, v14;
	v26 =	vmul.f32 v48, v21;
	[tilespmem:v50+s19+$0x0] =	vst.idx.add.f32.msk $0xffff, v36  }
.LBB2_4:
0x166: {  	v6 =	vmul.f32 v44, v19;
	_ =	sdelay $0x1  }
0x167: {  	[tilespmem:$0x1FE70] =	vst v6;
	v6 =	vmul.f32 v45, v19;
	_ =	sdelay $0x1  }
0x168: {  	[tilespmem:$0x1FE80] =	vst v6;
	v6 =	vmul.f32 v46, v19;
	_ =	sdelay $0x1  }
0x169: {  	v42 =	vld [tilespmem:s28+$0x0];
	[tilespmem:$0x1FE90] =	vst v6;
	v6 =	vmul.f32 v47, v19  }
0x16a: {  	s23 =	sadd.s32 $0x20, s23;
	v50 =	vld [tilespmem:s28+$0xFFFFFFF0]  }
0x16b: {  	v8 =	vmul.f32 v48, v19;
	[tilespmem:$0x1FEA0] =	vst v6;
	v6 =	vld [tilespmem:s23+$0xFFFFFFF0]  }
0x16c: {  	[tilespmem:v3+s19+$0x0] =	vst.idx.add.f32.msk $0xffff, v11  }
0x16d: {  	[tilespmem:$0x1FEB0] =	vst v8;
	v8 =	vmul.f32 v49, v19;
	v11 =	vld [tilespmem:$0x1FF50]  }
0x16e: {  	v36 =	vld [tilespmem:s23+$0x0]  }
0x16f: {  	[tilespmem:$0x1FEC0] =	vst v8;
	v8 =	vmul.f32 v44, v17  }
0x170: {  	v40 =	vmul.f32 v40, v15  }
0x171: {  	v28 =	vmul.f32 v15, v28;
	v44 =	vmul.f32 v45, v17;
	[tilespmem:$0x1FED0] =	vst v8  }
0x172: {  	v45 =	vmul.f32 v49, v17;
	v3 =	vmov v25;
	v25 =	vadd.f32 $5.000000000e-01, v42;
	[tilespmem:v7+s19+$0x0] =	vst.idx.add.f32.msk $0xffff, v11  }
0x173: {  	v8 =	vmul.f32 v46, v17;
	v46 =	vmul.f32 v48, v17;
	v7 =	vadd.f32 $5.000000000e-01, v36;
	[tilespmem:v10+s19+$0x0] =	vst.idx.add.f32.msk $0xffff, v38  }
0x174: {  	v48 =	vmul.f32 v39, v15;
	v38 =	vadd.f32 $5.000000000e-01, v6;
	v10 =	vtrunc.f32 v25;
	[tilespmem:v12+s19+$0x0] =	vst.idx.add.f32.msk $0xffff, v9;
	v9 =	vmovc v44  }
0x175: {  	v11 =	vmovc v8;
	v12 =	vcvt.f32.s32 v10;
	vm0 =	vlt.f32 v25, v10;
	[tilespmem:$0x1FE50] =	vst v9;
	v9 =	vtrunc.f32 v7  }
0x176: {  	[tilespmem:$0x1FF50] =	vst v11;
	v8 =	vcvt.f32.s32 v9;
	vm1 =	vlt.f32 v7, v9;
	v9 =	vimm.s32 $0x0  }
0x177: {  	v47 =	vmul.f32 v47, v17;
	v39 =	vmul.f32 v41, v15;
	[tilespmem:v22+s22+$0x0] =	vst.idx.add.f32.msk $0xffff, v48;
	v11 =	vsel vm0, $0xFFFFFFFF, v9  }
0x178: {  	v25 =	vtrunc.f32 v38;
	[tilespmem:v23+s22+$0x0] =	vst.idx.add.f32.msk $0xffff, v35;
	v41 =	vsel vm1, $0xFFFFFFFF, v9;
	v35 =	vadd.s32 v12, v11  }
0x179: {  	v48 =	vadd.f32 $5.000000000e-01, v50;
	[tilespmem:v18+s22+$0x0] =	vst.idx.add.f32.msk $0xffff, v37;
	v8 =	vadd.s32 v8, v41;
	v49 =	vcvt.s32.f32 v35  }
0x17a: {  	vm14 =	vlt.f32 v38, v25;
	[tilespmem:v16+s22+$0x0] =	vst.idx.add.f32.msk $0xffff, v0;
	v0 =	vcvt.f32.s32 v25;
	v25 =	vcvt.s32.f32 v8  }
0x17b: {  	v7 =	vmovc v20;
	v38 =	vsel vm14, $0xFFFFFFFF, v9;
	[tilespmem:v14+s14+$0x0] =	vst.idx.add.f32.msk $0xffff, v1;
	v1 =	vtrunc.f32 v48;
	v44 =	vsub.f32 v49, v42  }
0x17c: {  	[tilespmem:v3+s14+$0x0] =	vst.idx.add.f32.msk $0xffff, v63;
	v63 =	vcvt.f32.s32 v1;
	v0 =	vadd.s32 v0, v38;
	v25 =	vsub.f32 v25, v36  }
0x17d: {  	v10 =	vmovc v22;
	vm15 =	vlt.f32 v48, v1;
	[tilespmem:v20+s14+$0x0] =	vst.idx.add.f32.msk $0xffff, v56;
	v1 =	vadd.f32 $-3.000000000e+00, v44;
	v20 =	vadd.f32 $-2.000000000e+00, v44  }
0x17e: {  	v12 =	vmovc v23;
	[tilespmem:v22+s14+$0x0] =	vst.idx.add.f32.msk $0xffff, v39;
	v22 =	vadd.f32 $-3.000000000e+00, v25;
	v48 =	vadd.f32 $-1.000000000e+00, v44;
	v49 =	vmul.f32 v25, v25  }
0x17f: {  	[tilespmem:v23+s14+$0x0] =	vst.idx.add.f32.msk $0xffff, v62;
	v23 =	vadd.f32 $-2.000000000e+00, v25;
	v1 =	vmul.f32 v1, v1;
	v39 =	vmul.f32 v20, v20  }
0x180: {  	v56 =	vadd.f32 $-1.000000000e+00, v25;
	v36 =	vmul.f32 v48, v48;
	v22 =	vmul.f32 v22, v22  }
0x181: {  	[tilespmem:v18+s14+$0x0] =	vst.idx.add.f32.msk $0xffff, v61;
	v20 =	vadd.f32 $1.000000000e+00, v25;
	v37 =	vmul.f32 v49, v2;
	v23 =	vmul.f32 v23, v23  }
0x182: {  	[tilespmem:v16+s14+$0x0] =	vst.idx.add.f32.msk $0xffff, v59;
	v38 =	vmul.f32 v56, v56;
	v1 =	vmul.f32 v1, v2  }
0x183: {  	[tilespmem:v14+s15+$0x0] =	vst.idx.add.f32.msk $0xffff, v60;
	v20 =	vmul.f32 v20, v20;
	v22 =	vmul.f32 v22, v2  }
0x184: {  	[tilespmem:v3+s15+$0x0] =	vst.idx.add.f32.msk $0xffff, v58;
	v23 =	vmul.f32 v23, v2;
	v1 =	vmul.f32 $1.442695020e+00, v1  }
0x185: {  	v38 =	vmul.f32 v38, v2;
	[tilespmem:v7+s15+$0x0] =	vst.idx.add.f32.msk $0xffff, v57;
	v22 =	vmul.f32 $1.442695020e+00, v22  }
0x186: {  	v59 =	vadd.f32 $2.000000000e+00, v25;
	[tilespmem:v10+s15+$0x0] =	vst.idx.add.f32.msk $0xffff, v40;
	v23 =	vmul.f32 $1.442695020e+00, v23;
	(erf) = vpow2.f32 v1  }
0x187: {  	v25 =	vadd.f32 $3.000000000e+00, v25;
	[tilespmem:v12+s15+$0x0] =	vst.idx.add.f32.msk $0xffff, v54;
	v1 =	vmul.f32 $1.442695020e+00, v38;
	(erf) = vpow2.f32 v22  }
0x188: {  	v60 =	vsel vm15, $0xFFFFFFFF, v9;
	v9 =	vmovc v45;
	v61 =	vmul.f32 v59, v59;
	[tilespmem:v18+s15+$0x0] =	vst.idx.add.f32.msk $0xffff, v55;
	(erf) = vpow2.f32 v23  }
0x189: {  	v62 =	vmul.f32 v25, v25;
	[tilespmem:$0x1FE60] =	vst v9;
	(erf) = vpow2.f32 v1;
	v1 =	vld [tilespmem:$0x1FF70]  }
0x18a: {  	v41 =	vadd.s32 v63, v60;
	v37 =	vmul.f32 $1.442695020e+00, v37;
	v39 =	vmul.f32 v39, v2;
	[tilespmem:v16+s15+$0x0] =	vst.idx.add.f32.msk $0xffff, v53  }
0x18b: {  	v9 =	vmul.f32 v36, v2;
	v25 =	vmul.u32 $0x110, v41;
	v48 =	vmul.f32 v61, v2;
	[tilespmem:v14+s16+$0x0] =	vst.idx.add.f32.msk $0xffff, v52  }
0x18c: {  	v58 =	vmul.f32 $1.442695020e+00, v39;
	v54 =	vmul.f32 v20, v2;
	[tilespmem:v3+s16+$0x0] =	vst.idx.add.f32.msk $0xffff, v51  }
0x18d: {  	v59 =	vmul.f32 $1.442695020e+00, v9;
	v63 =	vadd.s32 v25, v0;
	v0 =	vcvt.s32.f32 v0;
	[tilespmem:v7+s16+$0x0] =	vst.idx.add.f32.msk $0xffff, v43  }
0x18e: {  	s24 =	sadd.s32 $0x20, s24;
	v35 =	vmul.u32 $0x110, v35;
	v55 =	vmul.f32 v62, v2;
	v56 =	vmul.f32 $1.442695020e+00, v54;
	[tilespmem:v5+s19+$0x0] =	vst.idx.add.f32.msk $0xffff, v1;
	v1 =	vmovc v46  }
0x18f: {  	v42 =	vadd.s32 $0x5, v63;
	v38 =	vld [tilespmem:s24+$0x0];
	(erf) = vpow2.f32 v37;
	[tilespmem:$0x1FF70] =	vst v1;
	v1 =	vmul.f32 $1.442695020e+00, v48  }
0x190: {  	v57 =	vmul.f32 $1.442695020e+00, v55;
	(erf) = vpow2.f32 v56;
	[tilespmem:v4+s19+$0x0] =	vst.idx.add.f32.msk $0xffff, v13;
	v13 =	vadd.f32 $2.000000000e+00, v44  }
0x191: {  	v5 =	vmovc v18;
	v18 =	vadd.s32 $0xA, v63;
	(erf) = vpow2.f32 v1;
	v1 =	vsub.f32 v0, v6  }
0x192: {  	v47 =	vmovc v47;
	v0 =	vcvt.s32.f32 v41;
	v6 =	vadd.s32 v35, v8;
	v13 =	vmul.f32 v13, v13  }
0x193: {  	v8 =	vpop (erf);
	(erf) = vpow2.f32 v57;
	v45 =	vadd.s32 $0x5, v6;
	v46 =	vadd.s32 $0x6, v6  }
0x194: {  	[tilespmem:$0x1FE40] =	vst v47;
	v60 =	vpop (erf);
	v47 =	vadd.s32 $0x7, v6;
	(erf) = vpow2.f32 v58;
	v37 =	vadd.f32 $-3.000000000e+00, v1  }
0x195: {  	v53 =	vmul.f32 v60, v38;
	v61 =	vpop (erf);
	v39 =	vadd.f32 $-2.000000000e+00, v1;
	v13 =	vmul.f32 v13, v2  }
0x196: {  	v36 =	vadd.f32 $-1.000000000e+00, v1;
	v54 =	vmul.f32 v61, v38;
	v62 =	vpop (erf);
	(erf) = vpow2.f32 v59  }
0x197: {  	v40 =	vadd.f32 $1.000000000e+00, v1;
	v55 =	vmul.f32 v62, v38;
	v63 =	vmul.f32 v53, v8  }
0x198: {  	v41 =	vadd.f32 $2.000000000e+00, v1;
	v37 =	vmul.f32 v37, v37;
	v39 =	vmul.f32 v39, v39  }
0x199: {  	v48 =	vadd.s32 $0x8, v6;
	v36 =	vmul.f32 v36, v36;
	v40 =	vmul.f32 v40, v40  }
0x19a: {  	v49 =	vadd.s32 $0x9, v6;
	v59 =	vpop (erf);
	v41 =	vmul.f32 v41, v41;
	v13 =	vmul.f32 $1.442695020e+00, v13  }
0x19b: {  	v51 =	vadd.s32 $0xA, v6;
	v56 =	vmul.f32 v59, v38;
	v9 =	vmul.f32 v54, v8;
	v60 =	vpop (erf)  }
0x19c: {  	v0 =	vsub.f32 v0, v50;
	v57 =	vmul.f32 v60, v38;
	v61 =	vmul.f32 v55, v8  }
0x19d: {  	[tilespmem:v45+s22+$0x0] =	vst.idx.add.f32.msk $0xffff, v63;
	v60 =	vadd.f32 $3.000000000e+00, v1;
	v1 =	vmul.f32 v1, v1;
	v37 =	vmul.f32 v37, v2;
	v62 =	vpop (erf)  }
0x19e: {  	v52 =	vadd.s32 $0xB, v6;
	[tilespmem:v46+s22+$0x0] =	vst.idx.add.f32.msk $0xffff, v9;
	v6 =	vmul.f32 v8, v56;
	v58 =	vmul.f32 v62, v38;
	v63 =	vpop (erf)  }
0x19f: {  	[tilespmem:v47+s22+$0x0] =	vst.idx.add.f32.msk $0xffff, v61;
	v9 =	vmul.f32 v57, v8;
	v59 =	vmul.f32 v63, v38  }
0x1a0: {  	[tilespmem:v48+s22+$0x0] =	vst.idx.add.f32.msk $0xffff, v6;
	v38 =	vmul.f32 v44, v44;
	v6 =	vmul.f32 v58, v8  }
0x1a1: {  	v39 =	vmul.f32 v39, v2;
	[tilespmem:v49+s22+$0x0] =	vst.idx.add.f32.msk $0xffff, v9;
	v35 =	vpop (erf);
	v8 =	vmul.f32 v59, v8  }
0x1a2: {  	v38 =	vmul.f32 v38, v2;
	[tilespmem:v51+s22+$0x0] =	vst.idx.add.f32.msk $0xffff, v6;
	v6 =	vmul.f32 v53, v35  }
0x1a3: {  	v11 =	vadd.f32 $3.000000000e+00, v0;
	v36 =	vmul.f32 v36, v2;
	[tilespmem:v52+s22+$0x0] =	vst.idx.add.f32.msk $0xffff, v8;
	v8 =	vmul.f32 v54, v35  }
0x1a4: {  	v38 =	vmul.f32 $1.442695020e+00, v38;
	[tilespmem:v45+s14+$0x0] =	vst.idx.add.f32.msk $0xffff, v6;
	v6 =	vmul.f32 v55, v35  }
0x1a5: {  	v11 =	vmul.f32 v11, v11;
	v61 =	vadd.f32 $1.000000000e+00, v44;
	[tilespmem:v46+s14+$0x0] =	vst.idx.add.f32.msk $0xffff, v8;
	v8 =	vmul.f32 v35, v56  }
0x1a6: {  	v50 =	vpop (erf);
	(erf) = vpow2.f32 v38;
	[tilespmem:v47+s14+$0x0] =	vst.idx.add.f32.msk $0xffff, v6;
	v6 =	vmul.f32 v57, v35  }
0x1a7: {  	v61 =	vmul.f32 v61, v61;
	[tilespmem:v48+s14+$0x0] =	vst.idx.add.f32.msk $0xffff, v8;
	v8 =	vmul.f32 v58, v35  }
0x1a8: {  	v60 =	vmul.f32 v60, v60;
	[tilespmem:v49+s14+$0x0] =	vst.idx.add.f32.msk $0xffff, v6;
	v6 =	vmul.f32 v59, v35  }
0x1a9: {  	v61 =	vmul.f32 v61, v2;
	[tilespmem:v51+s14+$0x0] =	vst.idx.add.f32.msk $0xffff, v8;
	v8 =	vmul.f32 v53, v50  }
0x1aa: {  	v1 =	vmul.f32 v1, v2;
	[tilespmem:v52+s14+$0x0] =	vst.idx.add.f32.msk $0xffff, v6;
	v6 =	vmul.f32 v54, v50  }
0x1ab: {  	v61 =	vmul.f32 $1.442695020e+00, v61;
	[tilespmem:v45+s15+$0x0] =	vst.idx.add.f32.msk $0xffff, v8;
	v8 =	vmul.f32 v55, v50  }
0x1ac: {  	v37 =	vmul.f32 $1.442695020e+00, v37;
	[tilespmem:v46+s15+$0x0] =	vst.idx.add.f32.msk $0xffff, v6;
	v6 =	vmul.f32 v50, v56  }
0x1ad: {  	(erf) = vpow2.f32 v61;
	[tilespmem:v47+s15+$0x0] =	vst.idx.add.f32.msk $0xffff, v8;
	v8 =	vmul.f32 v57, v50  }
0x1ae: {  	v39 =	vmul.f32 $1.442695020e+00, v39;
	[tilespmem:v48+s15+$0x0] =	vst.idx.add.f32.msk $0xffff, v6;
	v6 =	vmul.f32 v58, v50  }
0x1af: {  	v36 =	vmul.f32 $1.442695020e+00, v36;
	[tilespmem:v49+s15+$0x0] =	vst.idx.add.f32.msk $0xffff, v8;
	v8 =	vmul.f32 v59, v50;
	v50 =	vpop (erf)  }
0x1b0: {  	v11 =	vmul.f32 v11, v2;
	[tilespmem:v51+s15+$0x0] =	vst.idx.add.f32.msk $0xffff, v6;
	v6 =	vmul.f32 v53, v50  }
0x1b1: {  	v9 =	vadd.f32 $2.000000000e+00, v0;
	v1 =	vmul.f32 $1.442695020e+00, v1;
	[tilespmem:v52+s15+$0x0] =	vst.idx.add.f32.msk $0xffff, v8;
	v8 =	vmul.f32 v54, v50  }
0x1b2: {  	v11 =	vmul.f32 $1.442695020e+00, v11;
	[tilespmem:v45+s16+$0x0] =	vst.idx.add.f32.msk $0xffff, v6;
	v6 =	vmul.f32 v55, v50  }
0x1b3: {  	v44 =	vadd.f32 $3.000000000e+00, v44;
	v9 =	vmul.f32 v9, v9;
	[tilespmem:v46+s16+$0x0] =	vst.idx.add.f32.msk $0xffff, v8;
	v8 =	vmul.f32 v56, v50  }
0x1b4: {  	(erf) = vpow2.f32 v13;
	[tilespmem:v47+s16+$0x0] =	vst.idx.add.f32.msk $0xffff, v6;
	v6 =	vmul.f32 v57, v50  }
0x1b5: {  	v13 =	vmul.f32 v44, v44;
	[tilespmem:v48+s16+$0x0] =	vst.idx.add.f32.msk $0xffff, v8;
	v8 =	vmul.f32 v58, v50  }
0x1b6: {  	v9 =	vmul.f32 v9, v2;
	v61 =	vpop (erf);
	[tilespmem:v49+s16+$0x0] =	vst.idx.add.f32.msk $0xffff, v6;
	v6 =	vmul.f32 v59, v50  }
0x1b7: {  	v13 =	vmul.f32 v13, v2;
	[tilespmem:v51+s16+$0x0] =	vst.idx.add.f32.msk $0xffff, v8;
	v8 =	vmul.f32 v53, v61  }
0x1b8: {  	v9 =	vmul.f32 $1.442695020e+00, v9;
	v38 =	vadd.f32 $-2.000000000e+00, v0;
	[tilespmem:v52+s16+$0x0] =	vst.idx.add.f32.msk $0xffff, v6;
	v6 =	vmul.f32 v54, v61  }
0x1b9: {  	v13 =	vmul.f32 $1.442695020e+00, v13;
	[tilespmem:v45+s17+$0x0] =	vst.idx.add.f32.msk $0xffff, v8;
	v8 =	vmul.f32 v55, v61  }
0x1ba: {  	v38 =	vmul.f32 v38, v38;
	[tilespmem:v46+s17+$0x0] =	vst.idx.add.f32.msk $0xffff, v6;
	v6 =	vmul.f32 v61, v56  }
0x1bb: {  	(erf) = vpow2.f32 v13;
	[tilespmem:v47+s17+$0x0] =	vst.idx.add.f32.msk $0xffff, v8;
	v8 =	vmul.f32 v57, v61  }
0x1bc: {  	v62 =	vadd.f32 $-3.000000000e+00, v0;
	v13 =	vmul.f32 v40, v2;
	[tilespmem:v48+s17+$0x0] =	vst.idx.add.f32.msk $0xffff, v6;
	v6 =	vmul.f32 v58, v61  }
0x1bd: {  	v35 =	vadd.f32 $1.000000000e+00, v0;
	v40 =	vmul.f32 v41, v2;
	v41 =	vpop (erf);
	[tilespmem:v49+s17+$0x0] =	vst.idx.add.f32.msk $0xffff, v8;
	v8 =	vmul.f32 v59, v61  }
0x1be: {  	v63 =	vadd.f32 $-1.000000000e+00, v0;
	v0 =	vmul.f32 v0, v0;
	[tilespmem:v51+s17+$0x0] =	vst.idx.add.f32.msk $0xffff, v6;
	v6 =	vmul.f32 v53, v41  }
0x1bf: {  	v35 =	vmul.f32 v35, v35;
	[tilespmem:v52+s17+$0x0] =	vst.idx.add.f32.msk $0xffff, v8;
	v8 =	vmul.f32 v54, v41  }
0x1c0: {  	v0 =	vmul.f32 v0, v2;
	[tilespmem:v45+s18+$0x0] =	vst.idx.add.f32.msk $0xffff, v6;
	v6 =	vmul.f32 v55, v41  }
0x1c1: {  	v44 =	vmul.f32 v60, v2;
	[tilespmem:v46+s18+$0x0] =	vst.idx.add.f32.msk $0xffff, v8;
	v8 =	vmul.f32 v41, v56  }
0x1c2: {  	v60 =	vmul.f32 v63, v63;
	[tilespmem:v47+s18+$0x0] =	vst.idx.add.f32.msk $0xffff, v6;
	v6 =	vmul.f32 v57, v41  }
0x1c3: {  	v44 =	vmul.f32 $1.442695020e+00, v44;
	[tilespmem:v48+s18+$0x0] =	vst.idx.add.f32.msk $0xffff, v8;
	v8 =	vmul.f32 v58, v41  }
0x1c4: {  	v50 =	vmul.f32 v62, v62;
	v63 =	vpop (erf);
	[tilespmem:v49+s18+$0x0] =	vst.idx.add.f32.msk $0xffff, v6;
	v6 =	vmul.f32 v59, v41  }
0x1c5: {  	v13 =	vmul.f32 $1.442695020e+00, v13;
	[tilespmem:v51+s18+$0x0] =	vst.idx.add.f32.msk $0xffff, v8;
	v8 =	vmul.f32 v53, v63  }
0x1c6: {  	v40 =	vmul.f32 $1.442695020e+00, v40;
	[tilespmem:v52+s18+$0x0] =	vst.idx.add.f32.msk $0xffff, v6;
	v6 =	vmul.f32 v54, v63  }
0x1c7: {  	(erf) = vpow2.f32 v37;
	[tilespmem:v45+s19+$0x0] =	vst.idx.add.f32.msk $0xffff, v8;
	v8 =	vmul.f32 v55, v63  }
0x1c8: {  	(erf) = vpow2.f32 v39;
	[tilespmem:v46+s19+$0x0] =	vst.idx.add.f32.msk $0xffff, v6;
	v6 =	vmul.f32 v63, v56  }
0x1c9: {  	(erf) = vpow2.f32 v36;
	[tilespmem:v47+s19+$0x0] =	vst.idx.add.f32.msk $0xffff, v8;
	v8 =	vmul.f32 v57, v63  }
0x1ca: {  	(erf) = vpow2.f32 v13;
	[tilespmem:v48+s19+$0x0] =	vst.idx.add.f32.msk $0xffff, v6;
	v6 =	vmul.f32 v58, v63  }
0x1cb: {  	(erf) = vpow2.f32 v40;
	[tilespmem:v49+s19+$0x0] =	vst.idx.add.f32.msk $0xffff, v8;
	v8 =	vmul.f32 v59, v63  }
0x1cc: {  	v59 =	vmul.f32 v50, v2;
	[tilespmem:v51+s19+$0x0] =	vst.idx.add.f32.msk $0xffff, v6;
	v6 =	vmul.f32 v38, v2  }
0x1cd: {  	v61 =	vmul.f32 v60, v2;
	(erf) = vpow2.f32 v44  }
0x1ce: {  	v43 =	vld [tilespmem:s24+$0xFFFFFFF0];
	v62 =	vmul.f32 $1.442695020e+00, v59;
	v6 =	vmul.f32 $1.442695020e+00, v6  }
0x1cf: {  	(erf) = vpow2.f32 v1;
	[tilespmem:v52+s19+$0x0] =	vst.idx.add.f32.msk $0xffff, v8;
	v8 =	vmul.f32 v35, v2  }
0x1d0: {  	v63 =	vmul.f32 $1.442695020e+00, v61;
	(erf) = vpow2.f32 v62  }
0x1d1: {  	v4 =	vmov v16;
	v8 =	vmul.f32 $1.442695020e+00, v8;
	(erf) = vpow2.f32 v6  }
0x1d2: {  	v0 =	vmul.f32 $1.442695020e+00, v0;
	v6 =	vpop (erf);
	(erf) = vpow2.f32 v63  }
0x1d3: {  	[tilespmem:v10+s16+$0x0] =	vst.idx.add.f32.msk $0xffff, v28;
	v44 =	vmul.f32 v6, v43;
	v6 =	vpop (erf);
	(erf) = vpow2.f32 v8  }
0x1d4: {  	[tilespmem:v12+s16+$0x0] =	vst.idx.add.f32.msk $0xffff, v33;
	v1 =	vpop (erf);
	(erf) = vpow2.f32 v9  }
0x1d5: {  	[tilespmem:v5+s16+$0x0] =	vst.idx.add.f32.msk $0xffff, v34;
	v46 =	vmul.f32 v1, v43;
	v1 =	vpop (erf);
	(erf) = vpow2.f32 v11  }
0x1d6: {  	[tilespmem:v4+s16+$0x0] =	vst.idx.add.f32.msk $0xffff, v31;
	(erf) = vpow2.f32 v0;
	v0 =	vpop (erf)  }
0x1d7: {  	[tilespmem:v14+s17+$0x0] =	vst.idx.add.f32.msk $0xffff, v32;
	v13 =	vmul.f32 v21, v15;
	v48 =	vmul.f32 v0, v43;
	v0 =	vpop (erf)  }
0x1d8: {  	v25 =	vadd.s32 $0x1, v42;
	[tilespmem:v3+s17+$0x0] =	vst.idx.add.f32.msk $0xffff, v30;
	v38 =	vmul.f32 v17, v15;
	v49 =	vmul.f32 v0, v43;
	v0 =	vpop (erf)  }
0x1d9: {  	v20 =	vadd.s32 $0x2, v42;
	[tilespmem:v7+s17+$0x0] =	vst.idx.add.f32.msk $0xffff, v29;
	v45 =	vmul.f32 v6, v43;
	v6 =	vmul.f32 v19, v15;
	v39 =	vpop (erf)  }
0x1da: {  	[tilespmem:v10+s17+$0x0] =	vst.idx.add.f32.msk $0xffff, v13;
	v15 =	vmul.f32 v0, v43;
	v0 =	vmul.f32 v44, v39  }
0x1db: {  	[tilespmem:v12+s17+$0x0] =	vst.idx.add.f32.msk $0xffff, v27;
	v47 =	vmul.f32 v1, v43;
	v1 =	vmul.f32 v45, v39  }
0x1dc: {  	v8 =	vmul.f32 v46, v39;
	[tilespmem:v42+s22+$0x0] =	vst.idx.add.f32.msk $0xffff, v0  }
0x1dd: {  	[tilespmem:v25+s22+$0x0] =	vst.idx.add.f32.msk $0xffff, v1  }
0x1de: {  	[tilespmem:v20+s22+$0x0] =	vst.idx.add.f32.msk $0xffff, v8  }
0x1df: {  	v8 =	vld [tilespmem:$0x1FE70];
	_ =	sdelay $0x2  }
0x1e0: {  	[tilespmem:v5+s17+$0x0] =	vst.idx.add.f32.msk $0xffff, v26  }
0x1e1: {  	[tilespmem:v4+s17+$0x0] =	vst.idx.add.f32.msk $0xffff, v24  }
0x1e2: {  	[tilespmem:v14+s18+$0x0] =	vst.idx.add.f32.msk $0xffff, v8  }
0x1e3: {  	v8 =	vld [tilespmem:$0x1FE80];
	_ =	sdelay $0x4  }
0x1e4: {  	[tilespmem:v3+s18+$0x0] =	vst.idx.add.f32.msk $0xffff, v8  }
0x1e5: {  	v8 =	vld [tilespmem:$0x1FE90];
	_ =	sdelay $0x4  }
0x1e6: {  	[tilespmem:v7+s18+$0x0] =	vst.idx.add.f32.msk $0xffff, v8  }
0x1e7: {  	[tilespmem:v10+s18+$0x0] =	vst.idx.add.f32.msk $0xffff, v6  }
0x1e8: {  	v6 =	vld [tilespmem:$0x1FEA0];
	_ =	sdelay $0x4  }
0x1e9: {  	[tilespmem:v12+s18+$0x0] =	vst.idx.add.f32.msk $0xffff, v6  }
0x1ea: {  	v6 =	vld [tilespmem:$0x1FEB0];
	_ =	sdelay $0x3  }
0x1eb: {  	v41 =	vpop (erf);
	v35 =	vmul.f32 v47, v39  }
0x1ec: {  	v37 =	vmul.f32 v48, v39;
	v63 =	vmul.f32 v45, v41;
	[tilespmem:v5+s18+$0x0] =	vst.idx.add.f32.msk $0xffff, v6  }
0x1ed: {  	v56 =	vmul.f32 v46, v41;
	v62 =	vmul.f32 v47, v41;
	v6 =	vld [tilespmem:$0x1FEC0]  }
0x1ee: {  	v40 =	vpop (erf);
	v61 =	vmul.f32 v48, v41;
	v59 =	vmul.f32 v49, v41  }
0x1ef: {  	v0 =	vmul.f32 v49, v39;
	v60 =	vmul.f32 v44, v40  }
0x1f0: {  	v58 =	vmul.f32 v45, v40;
	v57 =	vmul.f32 v46, v40  }
0x1f1: {  	v21 =	vpop (erf);
	v54 =	vmul.f32 v47, v40;
	v55 =	vmul.f32 v48, v40  }
0x1f2: {  	s26 =	sadd.s32 $0x20, s26;
	v53 =	vmul.f32 v49, v40;
	v1 =	vmul.f32 v44, v41;
	v19 =	vpop (erf);
	[tilespmem:v4+s18+$0x0] =	vst.idx.add.f32.msk $0xffff, v6  }
0x1f3: {  	p0 =	slt.u32 s26, $0x3FE0;
	v32 =	vmul.f32 v44, v21;
	v30 =	vmul.f32 v45, v21;
	v17 =	vpop (erf);
	v6 =	vld [tilespmem:$0x1FED0]  }
.Ltmp1:
0x1f4: {  	v29 =	vmul.f32 v46, v21;
	v27 =	vmul.f32 v47, v21;
	v28 =	vpop (erf);
	(pc) =	sbr.rel @p0 .LBB2_4-.Ltmp1, $4  }
0x1f5: {  	v22 =	vadd.s32 $0x3, v42;
	v13 =	vld [tilespmem:$0x1FE60];
	v26 =	vmul.f32 v48, v21;
	v52 =	vmul.f32 v44, v28  }
0x1f6: {  	v23 =	vadd.s32 $0x4, v42;
	v9 =	vld [tilespmem:$0x1FE40];
	v51 =	vmul.f32 v45, v28;
	v43 =	vmul.f32 v46, v28  }
0x1f7: {  	v16 =	vadd.s32 $0x6, v42;
	v11 =	vld [tilespmem:$0x1FE50];
	v33 =	vmul.f32 v47, v28;
	v34 =	vmul.f32 v48, v28  }
0x1f8: {  	s28 =	sadd.s32 $0x20, s28;
	v31 =	vmul.f32 v49, v28;
	v24 =	vmul.f32 v49, v21;
	[tilespmem:v14+s19+$0x0] =	vst.idx.add.f32.msk $0xffff, v6;
	v14 =	vmov v42  }
0x1f9: {  	_ =	sdelay $0x3  }
0x1fa: {  	[tilespmem:v3+s19+$0x0] =	vst.idx.add.f32.msk $0xffff, v11  }
0x1fb: {  	v2 =	vld [tilespmem:$0x1FF50];
	_ =	sdelay $0x4  }
0x1fc: {  	[tilespmem:v7+s19+$0x0] =	vst.idx.add.f32.msk $0xffff, v2  }
0x1fd: {  	[tilespmem:v10+s19+$0x0] =	vst.idx.add.f32.msk $0xffff, v38  }
0x1fe: {  	v38 =	vmul.f32 v39, v15;
	[tilespmem:v12+s19+$0x0] =	vst.idx.add.f32.msk $0xffff, v9  }
0x1ff: {  	v2 =	vld [tilespmem:$0x1FF70]  }
0x200: {  	[tilespmem:v22+s22+$0x0] =	vst.idx.add.f32.msk $0xffff, v38  }
0x201: {  	[tilespmem:v23+s22+$0x0] =	vst.idx.add.f32.msk $0xffff, v35  }
0x202: {  	[tilespmem:v18+s22+$0x0] =	vst.idx.add.f32.msk $0xffff, v37  }
0x203: {  	[tilespmem:v16+s22+$0x0] =	vst.idx.add.f32.msk $0xffff, v0  }
0x204: {  	[tilespmem:v14+s14+$0x0] =	vst.idx.add.f32.msk $0xffff, v1  }
0x205: {  	[tilespmem:v5+s19+$0x0] =	vst.idx.add.f32.msk $0xffff, v2  }
0x206: {  	[tilespmem:v25+s14+$0x0] =	vst.idx.add.f32.msk $0xffff, v63  }
0x207: {  	v39 =	vmul.f32 v41, v15;
	[tilespmem:v4+s19+$0x0] =	vst.idx.add.f32.msk $0xffff, v13  }
0x208: {  	[tilespmem:v20+s14+$0x0] =	vst.idx.add.f32.msk $0xffff, v56  }
0x209: {  	[tilespmem:v22+s14+$0x0] =	vst.idx.add.f32.msk $0xffff, v39  }
0x20a: {  	[tilespmem:v23+s14+$0x0] =	vst.idx.add.f32.msk $0xffff, v62  }
0x20b: {  	[tilespmem:v18+s14+$0x0] =	vst.idx.add.f32.msk $0xffff, v61  }
0x20c: {  	[tilespmem:v16+s14+$0x0] =	vst.idx.add.f32.msk $0xffff, v59  }
0x20d: {  	[tilespmem:v14+s15+$0x0] =	vst.idx.add.f32.msk $0xffff, v60  }
0x20e: {  	v41 =	vmul.f32 v40, v15;
	[tilespmem:v25+s15+$0x0] =	vst.idx.add.f32.msk $0xffff, v58  }
0x20f: {  	[tilespmem:v20+s15+$0x0] =	vst.idx.add.f32.msk $0xffff, v57  }
0x210: {  	[tilespmem:v22+s15+$0x0] =	vst.idx.add.f32.msk $0xffff, v41  }
0x211: {  	[tilespmem:v23+s15+$0x0] =	vst.idx.add.f32.msk $0xffff, v54  }
0x212: {  	[tilespmem:v18+s15+$0x0] =	vst.idx.add.f32.msk $0xffff, v55  }
0x213: {  	[tilespmem:v16+s15+$0x0] =	vst.idx.add.f32.msk $0xffff, v53  }
0x214: {  	[tilespmem:v14+s16+$0x0] =	vst.idx.add.f32.msk $0xffff, v52  }
0x215: {  	v42 =	vmul.f32 v15, v28;
	[tilespmem:v25+s16+$0x0] =	vst.idx.add.f32.msk $0xffff, v51  }
0x216: {  	[tilespmem:v20+s16+$0x0] =	vst.idx.add.f32.msk $0xffff, v43  }
0x217: {  	[tilespmem:v22+s16+$0x0] =	vst.idx.add.f32.msk $0xffff, v42  }
0x218: {  	[tilespmem:v23+s16+$0x0] =	vst.idx.add.f32.msk $0xffff, v33  }
0x219: {  	[tilespmem:v18+s16+$0x0] =	vst.idx.add.f32.msk $0xffff, v34  }
0x21a: {  	[tilespmem:v16+s16+$0x0] =	vst.idx.add.f32.msk $0xffff, v31  }
0x21b: {  	[tilespmem:v14+s17+$0x0] =	vst.idx.add.f32.msk $0xffff, v32  }
0x21c: {  	v43 =	vmul.f32 v21, v15;
	[tilespmem:v25+s17+$0x0] =	vst.idx.add.f32.msk $0xffff, v30  }
0x21d: {  	[tilespmem:v20+s17+$0x0] =	vst.idx.add.f32.msk $0xffff, v29  }
0x21e: {  	[tilespmem:v22+s17+$0x0] =	vst.idx.add.f32.msk $0xffff, v43  }
0x21f: {  	[tilespmem:v23+s17+$0x0] =	vst.idx.add.f32.msk $0xffff, v27  }
0x220: {  	v50 =	vmul.f32 v44, v19;
	[tilespmem:v18+s17+$0x0] =	vst.idx.add.f32.msk $0xffff, v26  }
0x221: {  	v51 =	vmul.f32 v45, v19;
	[tilespmem:v16+s17+$0x0] =	vst.idx.add.f32.msk $0xffff, v24  }
0x222: {  	v52 =	vmul.f32 v46, v19;
	[tilespmem:v14+s18+$0x0] =	vst.idx.add.f32.msk $0xffff, v50  }
0x223: {  	v53 =	vmul.f32 v19, v15;
	[tilespmem:v25+s18+$0x0] =	vst.idx.add.f32.msk $0xffff, v51  }
0x224: {  	v54 =	vmul.f32 v47, v19;
	[tilespmem:v20+s18+$0x0] =	vst.idx.add.f32.msk $0xffff, v52  }
0x225: {  	v55 =	vmul.f32 v48, v19;
	[tilespmem:v22+s18+$0x0] =	vst.idx.add.f32.msk $0xffff, v53  }
0x226: {  	v56 =	vmul.f32 v49, v19;
	[tilespmem:v23+s18+$0x0] =	vst.idx.add.f32.msk $0xffff, v54  }
0x227: {  	v57 =	vmul.f32 v44, v17;
	[tilespmem:v18+s18+$0x0] =	vst.idx.add.f32.msk $0xffff, v55  }
0x228: {  	v58 =	vmul.f32 v45, v17;
	[tilespmem:v16+s18+$0x0] =	vst.idx.add.f32.msk $0xffff, v56  }
0x229: {  	v59 =	vmul.f32 v46, v17;
	[tilespmem:v14+s19+$0x0] =	vst.idx.add.f32.msk $0xffff, v57  }
0x22a: {  	v60 =	vmul.f32 v17, v15;
	[tilespmem:v25+s19+$0x0] =	vst.idx.add.f32.msk $0xffff, v58  }
0x22b: {  	v61 =	vmul.f32 v47, v17;
	[tilespmem:v20+s19+$0x0] =	vst.idx.add.f32.msk $0xffff, v59  }
0x22c: {  	v62 =	vmul.f32 v48, v17;
	[tilespmem:v22+s19+$0x0] =	vst.idx.add.f32.msk $0xffff, v60  }
0x22d: {  	v63 =	vmul.f32 v49, v17;
	[tilespmem:v23+s19+$0x0] =	vst.idx.add.f32.msk $0xffff, v61  }
0x22e: {  	[tilespmem:v18+s19+$0x0] =	vst.idx.add.f32.msk $0xffff, v62  }
0x22f: {  	[tilespmem:v16+s19+$0x0] =	vst.idx.add.f32.msk $0xffff, v63  }
.LBB2_6:
0x230: {  	p0 =	sne.s32 s22, $0x1FE0  }
.Ltmp2:
0x231: {  	_ = 	snop;
	(pc) =	sbr.rel @p0 .LBB2_6-.Ltmp2, $4  }
0x232: {  	_ = 	snop  }
0x233: {  	s23 =	sadd.s32 s22, s8  }
0x234: {  	[hbm4b:s23+s2] =	stream.linear.scatter [tilespmem:s25], [sflag:$0x1], $0x100, $0x38;
	[tilespmem:$0x1D690] =	vst v63  }
0x235: {  	s22 =	sadd.s32 $0x20, s22;
	s25 =	sadd.s32 $0x110, s25  }
0x236: {  	_ =	swait.ge [sflag:s20], $0x100  }
0x237: {  	s22 =	simm.s32 $0xFF;
	v0 =	vimm.f32 $0.0e+00;
	v9 =	vimm.s32 $0x0;
	[sflag:s20] =	ssyncset.done $0x0  }
.LBB2_8:
0x238: {  	p0 =	sne.s32 s22, $0x1;
	s22 =	sadd.s32 $0xFFFFFFFF, s22;
	[sflag:s20] =	ssyncadd.s32 $0xFFFFFF00  }
.Ltmp3:
0x239: {  	(pc) =	sbr.rel @p0 .LBB2_8-.Ltmp3, $3  }
0x23a: {  	_ =	sdelay $0x1  }
0x23b: {  	_ =	swait.ge [sflag:s20], $0x100  }
0x23c: {  	[sflag:s20] =	ssyncset.done $0x0  }
0x23d: {  	s21 =	sadd.s32 $0x1, s21  }
0x23e: {  	p0 =	sne.s32 s21, s7  }
.Ltmp4:
0x23f: {  	_ = 	snop;
	(pc) =	sbr.rel @p0 .LBB2_1-.Ltmp4, $2  }
0x240: {  	_ =	sdelay $0x2  }
0x241: {  	[sflag:s20] =	ssyncadd.s32 $0xFFFFFF00  }
0x242: {  	_ =	sfence.sel $0x180000  }
0x243: {  	[bflag:$0x0] =	sbarrier.arrive $0xFFFF  }
0x244: {  	p0 =	sne.s32 s1, $0x0;
	_ =	strace $0x90000047  }
0x245: {  	s0 =	sadd.s32 @!p0 $0x100000, s0;
	[bflag:$0x2] =	sbarrier.arrive $0xFFFF  }
0x246: {  	[sflag:s0] =	ssyncadd.tile.s32 @!p0 $0x1;
	_ =	shalt  }
.Lfunc_end2:
_tile_overlayer_lowered:
.L_overlay_start_2:
0x247: {  	(tag) =	ssettag $0x2  }
0x248: {  	s0 =	rddreg [dreg:$0x0];
	s2 =	stileid.u32  }
0x249: {  	s1 =	rddreg [dreg:$0x1];
	p0 =	sne.s32 s2, $0x0  }
0x24a: {  	s3 =	rddreg [dreg:$0x2];
	[bflag:$0x3] =	sbarrier.arrive $0xFFFF;
	s2 =	simm.s32 @!p0 $0x1C03  }
0x24b: {  	[timem:s3], [sflag:s2] =	dma.local @!p0 [hbm:s0], s1  }
0x24c: {  	s0 =	simm.s32 @!p0 $0x3  }
0x24d: {  	_ =	swait.ge @!p0 [sflag:s0], s1  }
0x24e: {  	s1 =	ssub.s32 @!p0 $0x0, s1;
	[sflag:s0] =	ssyncset.done @!p0 $0x0  }
0x24f: {  	[sflag:s0] =	ssyncadd.s32 @!p0 s1  }
0x250: {  	[bflag:$0x3] =	sbarrier.arrive $0xFFFF  }
0x251: {  	_ =	shalt  }

</sc_bundles>
